<compile_context>
chip_gen: v7x
topology: tpu7x:2x2x1
jax: 0.10.2.dev20260603
libtpu: 0.0.44.dev20260713+nightly
codegen_flags: <defaults>
</compile_context>

<pallas_src>
import functools

import jax
import jax.numpy as jnp
from jax import lax
from jax.experimental import pallas as pl
from jax.experimental.pallas import tpu as pltpu
from jax.experimental.pallas import tpu_sc as plsc

D = 2048
E = 16
S = 16384
NW = 32
TPW = S // NW
GROUPS = TPW // 16
BT = 1024
NB = S // 128
NBW = TPW // 128


def _matmul_body(x_ref, w_ref, b_ref, out_ref):
    lgt = lax.dot_general(
        w_ref[...], x_ref[...],
        (((1,), (1,)), ((), ())),
        preferred_element_type=jnp.float32,
    ) + b_ref[...]
    for a in range(2):
        rows = lgt[a * 8:(a + 1) * 8, :]
        for bb in range(BT // 128):
            out_ref[a, bb, :, :] = rows[:, bb * 128:(bb + 1) * 128]


def _logits(x, w, bcol):
    return pl.pallas_call(
        _matmul_body,
        grid=(S // BT,),
        in_specs=[
            pl.BlockSpec((BT, D), lambda i: (i, 0)),
            pl.BlockSpec((E, D), lambda i: (0, 0)),
            pl.BlockSpec((E, 1), lambda i: (0, 0)),
        ],
        out_specs=pl.BlockSpec((2, BT // 128, 8, 128), lambda i: (0, i, 0, 0)),
        out_shape=jax.ShapeDtypeStruct((2, NB, 8, 128), jnp.float32),
    )(x, w, bcol)


def _sc_route(logits_flat):
    mesh = plsc.VectorSubcoreMesh(core_axis_name="c", subcore_axis_name="s")

    @functools.partial(
        pl.kernel,
        mesh=mesh,
        out_type=[
            jax.ShapeDtypeStruct((S,), jnp.int32),
            jax.ShapeDtypeStruct((S,), jnp.int32),
            jax.ShapeDtypeStruct((S,), jnp.float32),
            jax.ShapeDtypeStruct((S,), jnp.float32),
            jax.ShapeDtypeStruct((NW, E), jnp.float32),
            jax.ShapeDtypeStruct((NW, E), jnp.float32),
        ],
        scratch_types=[
            pltpu.VMEM((TPW * E,), jnp.float32),
            pltpu.VMEM((TPW,), jnp.int32),
            pltpu.VMEM((TPW,), jnp.int32),
            pltpu.VMEM((TPW,), jnp.float32),
            pltpu.VMEM((TPW,), jnp.float32),
            pltpu.VMEM((E * 16,), jnp.float32),
            pltpu.VMEM((E * 16,), jnp.float32),
            pltpu.VMEM((E,), jnp.float32),
            pltpu.VMEM((E,), jnp.float32),
            pltpu.SemaphoreType.DMA,
        ],
        compiler_params=pltpu.CompilerParams(needs_layout_passes=False),
    )
    def k(lg_hbm, i1_hbm, i2_hbm, w1_hbm, w2_hbm, imp_hbm, load_hbm,
          lg_v, i1_v, i2_v, w1_v, w2_v, impc_v, loadc_v, impt_v, loadt_v,
          sem):
        wid = lax.axis_index("s") * 2 + lax.axis_index("c")
        base = wid * TPW
        bbase = wid * NBW
        copies = [
            pltpu.async_copy(
                lg_hbm.at[pl.ds(a * 8 * S + (bbase + bl) * 1024, 1024)],
                lg_v.at[pl.ds(a * (NBW * 1024) + bl * 1024, 1024)], sem)
            for a in range(2)
            for bl in range(NBW)
        ]
        for c in copies:
            c.wait()

        lanes = lax.broadcasted_iota(jnp.int32, (16,), 0)
        zeros = jnp.zeros((16,), jnp.float32)

        def body(g, carry):
            acc_imp, acc_load = carry
            goff = (g // 8) * 1024 + (g % 8) * 16
            vals = [
                lg_v[pl.ds(goff + (e // 8) * (NBW * 1024) + (e % 8) * 128, 16)]
                for e in range(E)
            ]
            m = vals[0]
            for e in range(1, E):
                m = jnp.maximum(m, vals[e])
            es = [jnp.exp(vals[e] - m) for e in range(E)]
            denom = es[0]
            for e in range(1, E):
                denom = denom + es[e]
            inv = 1.0 / denom
            acc_imp = tuple(acc_imp[e] + es[e] * inv for e in range(E))

            m1 = es[0]
            i1 = jnp.zeros((16,), jnp.int32)
            m2 = jnp.full((16,), -1.0, jnp.float32)
            i2 = jnp.zeros((16,), jnp.int32)
            for e in range(1, E):
                v = es[e]
                ec = jnp.full((16,), e, jnp.int32)
                gt1 = v > m1
                gt2 = v > m2
                n_m2 = jnp.where(gt1, m1, jnp.where(gt2, v, m2))
                n_i2 = jnp.where(gt1, i1, jnp.where(gt2, ec, i2))
                m1 = jnp.where(gt1, v, m1)
                i1 = jnp.where(gt1, ec, i1)
                m2, i2 = n_m2, n_i2

            s2 = m1 + m2
            invs = 1.0 / s2
            w1 = m1 * invs
            w2 = m2 * invs
            acc_load = tuple(
                acc_load[e] + jnp.where(i1 == e, 1.0, 0.0) for e in range(E)
            )

            i1_v[pl.ds(g * 16, 16)] = i1
            i2_v[pl.ds(g * 16, 16)] = i2
            w1_v[pl.ds(g * 16, 16)] = w1
            w2_v[pl.ds(g * 16, 16)] = w2
            return (acc_imp, acc_load)

        init = (tuple(zeros for _ in range(E)), tuple(zeros for _ in range(E)))
        acc_imp, acc_load = lax.fori_loop(0, GROUPS, body, init)

        for e in range(E):
            impc_v[pl.ds(e * 16, 16)] = plsc.cumsum(acc_imp[e])
            loadc_v[pl.ds(e * 16, 16)] = plsc.cumsum(acc_load[e])
        lastidx = lanes * 16 + 15
        impt_v[:] = plsc.load_gather(impc_v, [lastidx])
        loadt_v[:] = plsc.load_gather(loadc_v, [lastidx])

        outs = [
            pltpu.async_copy(i1_v, i1_hbm.at[pl.ds(base, TPW)], sem),
            pltpu.async_copy(i2_v, i2_hbm.at[pl.ds(base, TPW)], sem),
            pltpu.async_copy(w1_v, w1_hbm.at[pl.ds(base, TPW)], sem),
            pltpu.async_copy(w2_v, w2_hbm.at[pl.ds(base, TPW)], sem),
            pltpu.async_copy(impt_v, imp_hbm.at[wid], sem),
            pltpu.async_copy(loadt_v, load_hbm.at[wid], sem),
        ]
        for c in outs:
            c.wait()

    return k(logits_flat)


def _aux_body(imp_ref, load_ref, out_ref):
    imp = jnp.sum(imp_ref[...], axis=0) * (1.0 / S)
    load = jnp.sum(load_ref[...], axis=0) * (1.0 / S)
    out_ref[0, 0] = jnp.sum(E * imp * load)


def _finalize(imp_p, load_p):
    return pl.pallas_call(
        _aux_body,
        out_specs=pl.BlockSpec(memory_space=pltpu.SMEM),
        out_shape=jax.ShapeDtypeStruct((1, 1), jnp.float32),
    )(imp_p, load_p)


def kernel(x, W, b):
    bcol = b.reshape(E, 1)
    logits_t = _logits(x, W, bcol)
    i1, i2, w1, w2, imp_p, load_p = _sc_route(logits_t.reshape(E * S))
    aux = _finalize(imp_p, load_p).reshape(())
    return (
        jnp.stack([i1, i2], axis=1),
        jnp.stack([w1, w2], axis=1),
        aux,
    )

# --- scband reference (transcript-rebuilt; emitter-appended) ---
"""Pipeline reference for scband-top-kgate-70188355551456 (READ-ONLY COPY).

The authoritative reference and input builder live on the scoring server;
editing this copy changes nothing except your own understanding.
"""

import jax, jax.numpy as jnp
import numpy as np

DIM = 2048
N_EXPERT = 16
K = 2
S = 16384

def setup_inputs(seed: int = 0) -> dict:
    key = jax.random.key(seed)
    kx, kw, kb = jax.random.split(key, 3)
    x = jax.random.normal(kx, (S, DIM), dtype=jnp.float32)
    # nn.Linear(dim, n_expert): weight (n_expert, dim), bias (n_expert)
    bound = 1.0 / np.sqrt(DIM)
    W = jax.random.uniform(kw, (N_EXPERT, DIM), dtype=jnp.float32, minval=-bound, maxval=bound)
    b = jax.random.uniform(kb, (N_EXPERT,), dtype=jnp.float32, minval=-bound, maxval=bound)
    return {"x": x, "W": W, "b": b}

def reference(x, W, b):
    logits = x @ W.T + b
    prob = jax.nn.softmax(logits, axis=-1)
    topk_vals, topids = jax.lax.top_k(prob, K)
    S_tok = prob.shape[0]
    E = prob.shape[1]
    importance = prob.mean(axis=0)
    hard_1 = topids[:, 0]
    normalized_weights = topk_vals / jnp.sum(topk_vals, axis=-1, keepdims=True)
    load = jnp.zeros((E,), dtype=x.dtype).at[hard_1].add(jnp.ones((S_tok,), dtype=x.dtype))
    load = load / S_tok
    aux_loss = (E * (importance * load)).sum()
    return (topids, normalized_weights, aux_loss)

if __name__ == "__main__":
    import jax
    _d = setup_inputs()
    print(jax.jit(kernel)(*tuple(_d.values())))

</pallas_src>

<mosaic_0001>
#map = affine_map<(d0, d1) -> (0)>
#map1 = affine_map<(d0, d1) -> (0, 0)>
module attributes {stable_mosaic.version = 14 : i64} {
  func.func @k(%arg0: i32, %arg1: i32, %arg2: memref<262144xf32, #tpu.memory_space<hbm>>, %arg3: memref<16384xi32, #tpu.memory_space<hbm>>, %arg4: memref<16384xi32, #tpu.memory_space<hbm>>, %arg5: memref<16384xf32, #tpu.memory_space<hbm>>, %arg6: memref<16384xf32, #tpu.memory_space<hbm>>, %arg7: memref<32x16xf32, #tpu.memory_space<hbm>>, %arg8: memref<32x16xf32, #tpu.memory_space<hbm>>, %arg9: memref<8192xf32, #tpu.memory_space<vmem>>, %arg10: memref<512xi32, #tpu.memory_space<vmem>>, %arg11: memref<512xi32, #tpu.memory_space<vmem>>, %arg12: memref<512xf32, #tpu.memory_space<vmem>>, %arg13: memref<512xf32, #tpu.memory_space<vmem>>, %arg14: memref<256xf32, #tpu.memory_space<vmem>>, %arg15: memref<256xf32, #tpu.memory_space<vmem>>, %arg16: memref<16xf32, #tpu.memory_space<vmem>>, %arg17: memref<16xf32, #tpu.memory_space<vmem>>, %arg18: memref<!tpu.dma_semaphore, #tpu.memory_space<semaphore_mem>>) attributes {dimension_semantics = [#tpu.dimension_semantics<core_parallel>, #tpu.dimension_semantics<subcore_parallel>], iteration_bounds = array<i64: 2, 16>, scalar_prefetch = 0 : i64, scratch_operands = 10 : i64, tpu.core_type = #tpu.core_type<sc_vector_subcore>, window_params = [{transform_indices = #map}, {transform_indices = #map}, {transform_indices = #map}, {transform_indices = #map}, {transform_indices = #map}, {transform_indices = #map1}, {transform_indices = #map1}]} {
    %mul3A = arith.constant 2 : i32
    %mul3A_0 = arith.muli %arg1, %mul3A : i32
    %add3A = arith.addi %mul3A_0, %arg0 : i32
    %mul3A_1 = arith.constant 512 : i32
    %mul3A_2 = arith.muli %add3A, %mul3A_1 : i32
    %mul3A_3 = arith.constant 4 : i32
    %mul3A_4 = arith.muli %add3A, %mul3A_3 : i32
    %add3A_5 = arith.constant 0 : i32
    %add3A_6 = arith.addi %mul3A_4, %add3A_5 : i32
    %mul3A_7 = arith.constant 1024 : i32
    %mul3A_8 = arith.muli %add3A_6, %mul3A_7 : i32
    %add3A_9 = arith.constant 0 : i32
    %add3A_10 = arith.addi %add3A_9, %mul3A_8 : i32
    %dma_start3A = arith.constant 0 : i32
    %dma_start3A_11 = tpu.memref_slice %arg9[%dma_start3A] : memref<8192xf32, #tpu.memory_space<vmem>> -> memref<1024xf32, #tpu.memory_space<vmem>>
    %dma_start3A_12 = tpu.memref_slice %arg2[%add3A_10] : memref<262144xf32, #tpu.memory_space<hbm>> -> memref<1024xf32, #tpu.memory_space<hbm>>
    %dma_start3A_13 = arith.constant 0 : i32
    %dma_start3A_14 = tpu.memref_slice %arg9[%dma_start3A_13] : memref<8192xf32, #tpu.memory_space<vmem>> -> memref<1024xf32, #tpu.memory_space<vmem>>
    %dma_start3A_15 = tpu.memref_slice %arg2[%add3A_10] : memref<262144xf32, #tpu.memory_space<hbm>> -> memref<1024xf32, #tpu.memory_space<hbm>>
    tpu.enqueue_dma source(%dma_start3A_15 : memref<1024xf32, #tpu.memory_space<hbm>>) target(%dma_start3A_14 : memref<1024xf32, #tpu.memory_space<vmem>>) target_semaphore(%arg18 : memref<!tpu.dma_semaphore, #tpu.memory_space<semaphore_mem>>)
    %add3A_16 = arith.constant 1 : i32
    %add3A_17 = arith.addi %mul3A_4, %add3A_16 : i32
    %mul3A_18 = arith.constant 1024 : i32
    %mul3A_19 = arith.muli %add3A_17, %mul3A_18 : i32
    %add3A_20 = arith.constant 0 : i32
    %add3A_21 = arith.addi %add3A_20, %mul3A_19 : i32
    %dma_start3A_22 = arith.constant 1024 : i32
    %dma_start3A_23 = tpu.memref_slice %arg9[%dma_start3A_22] : memref<8192xf32, #tpu.memory_space<vmem>> -> memref<1024xf32, #tpu.memory_space<vmem>>
    %dma_start3A_24 = tpu.memref_slice %arg2[%add3A_21] : memref<262144xf32, #tpu.memory_space<hbm>> -> memref<1024xf32, #tpu.memory_space<hbm>>
    %dma_start3A_25 = arith.constant 1024 : i32
    %dma_start3A_26 = tpu.memref_slice %arg9[%dma_start3A_25] : memref<8192xf32, #tpu.memory_space<vmem>> -> memref<1024xf32, #tpu.memory_space<vmem>>
    %dma_start3A_27 = tpu.memref_slice %arg2[%add3A_21] : memref<262144xf32, #tpu.memory_space<hbm>> -> memref<1024xf32, #tpu.memory_space<hbm>>
    tpu.enqueue_dma source(%dma_start3A_27 : memref<1024xf32, #tpu.memory_space<hbm>>) target(%dma_start3A_26 : memref<1024xf32, #tpu.memory_space<vmem>>) target_semaphore(%arg18 : memref<!tpu.dma_semaphore, #tpu.memory_space<semaphore_mem>>)
    %add3A_28 = arith.constant 2 : i32
    %add3A_29 = arith.addi %mul3A_4, %add3A_28 : i32
    %mul3A_30 = arith.constant 1024 : i32
    %mul3A_31 = arith.muli %add3A_29, %mul3A_30 : i32
    %add3A_32 = arith.constant 0 : i32
    %add3A_33 = arith.addi %add3A_32, %mul3A_31 : i32
    %dma_start3A_34 = arith.constant 2048 : i32
    %dma_start3A_35 = tpu.memref_slice %arg9[%dma_start3A_34] : memref<8192xf32, #tpu.memory_space<vmem>> -> memref<1024xf32, #tpu.memory_space<vmem>>
    %dma_start3A_36 = tpu.memref_slice %arg2[%add3A_33] : memref<262144xf32, #tpu.memory_space<hbm>> -> memref<1024xf32, #tpu.memory_space<hbm>>
    %dma_start3A_37 = arith.constant 2048 : i32
    %dma_start3A_38 = tpu.memref_slice %arg9[%dma_start3A_37] : memref<8192xf32, #tpu.memory_space<vmem>> -> memref<1024xf32, #tpu.memory_space<vmem>>
    %dma_start3A_39 = tpu.memref_slice %arg2[%add3A_33] : memref<262144xf32, #tpu.memory_space<hbm>> -> memref<1024xf32, #tpu.memory_space<hbm>>
    tpu.enqueue_dma source(%dma_start3A_39 : memref<1024xf32, #tpu.memory_space<hbm>>) target(%dma_start3A_38 : memref<1024xf32, #tpu.memory_space<vmem>>) target_semaphore(%arg18 : memref<!tpu.dma_semaphore, #tpu.memory_space<semaphore_mem>>)
    %add3A_40 = arith.constant 3 : i32
    %add3A_41 = arith.addi %mul3A_4, %add3A_40 : i32
    %mul3A_42 = arith.constant 1024 : i32
    %mul3A_43 = arith.muli %add3A_41, %mul3A_42 : i32
    %add3A_44 = arith.constant 0 : i32
    %add3A_45 = arith.addi %add3A_44, %mul3A_43 : i32
    %dma_start3A_46 = arith.constant 3072 : i32
    %dma_start3A_47 = tpu.memref_slice %arg9[%dma_start3A_46] : memref<8192xf32, #tpu.memory_space<vmem>> -> memref<1024xf32, #tpu.memory_space<vmem>>
    %dma_start3A_48 = tpu.memref_slice %arg2[%add3A_45] : memref<262144xf32, #tpu.memory_space<hbm>> -> memref<1024xf32, #tpu.memory_space<hbm>>
    %dma_start3A_49 = arith.constant 3072 : i32
    %dma_start3A_50 = tpu.memref_slice %arg9[%dma_start3A_49] : memref<8192xf32, #tpu.memory_space<vmem>> -> memref<1024xf32, #tpu.memory_space<vmem>>
    %dma_start3A_51 = tpu.memref_slice %arg2[%add3A_45] : memref<262144xf32, #tpu.memory_space<hbm>> -> memref<1024xf32, #tpu.memory_space<hbm>>
    tpu.enqueue_dma source(%dma_start3A_51 : memref<1024xf32, #tpu.memory_space<hbm>>) target(%dma_start3A_50 : memref<1024xf32, #tpu.memory_space<vmem>>) target_semaphore(%arg18 : memref<!tpu.dma_semaphore, #tpu.memory_space<semaphore_mem>>)
    %add3A_52 = arith.constant 0 : i32
    %add3A_53 = arith.addi %mul3A_4, %add3A_52 : i32
    %mul3A_54 = arith.constant 1024 : i32
    %mul3A_55 = arith.muli %add3A_53, %mul3A_54 : i32
    %add3A_56 = arith.constant 131072 : i32
    %add3A_57 = arith.addi %add3A_56, %mul3A_55 : i32
    %dma_start3A_58 = arith.constant 4096 : i32
    %dma_start3A_59 = tpu.memref_slice %arg9[%dma_start3A_58] : memref<8192xf32, #tpu.memory_space<vmem>> -> memref<1024xf32, #tpu.memory_space<vmem>>
    %dma_start3A_60 = tpu.memref_slice %arg2[%add3A_57] : memref<262144xf32, #tpu.memory_space<hbm>> -> memref<1024xf32, #tpu.memory_space<hbm>>
    %dma_start3A_61 = arith.constant 4096 : i32
    %dma_start3A_62 = tpu.memref_slice %arg9[%dma_start3A_61] : memref<8192xf32, #tpu.memory_space<vmem>> -> memref<1024xf32, #tpu.memory_space<vmem>>
    %dma_start3A_63 = tpu.memref_slice %arg2[%add3A_57] : memref<262144xf32, #tpu.memory_space<hbm>> -> memref<1024xf32, #tpu.memory_space<hbm>>
    tpu.enqueue_dma source(%dma_start3A_63 : memref<1024xf32, #tpu.memory_space<hbm>>) target(%dma_start3A_62 : memref<1024xf32, #tpu.memory_space<vmem>>) target_semaphore(%arg18 : memref<!tpu.dma_semaphore, #tpu.memory_space<semaphore_mem>>)
    %add3A_64 = arith.constant 1 : i32
    %add3A_65 = arith.addi %mul3A_4, %add3A_64 : i32
    %mul3A_66 = arith.constant 1024 : i32
    %mul3A_67 = arith.muli %add3A_65, %mul3A_66 : i32
    %add3A_68 = arith.constant 131072 : i32
    %add3A_69 = arith.addi %add3A_68, %mul3A_67 : i32
    %dma_start3A_70 = arith.constant 5120 : i32
    %dma_start3A_71 = tpu.memref_slice %arg9[%dma_start3A_70] : memref<8192xf32, #tpu.memory_space<vmem>> -> memref<1024xf32, #tpu.memory_space<vmem>>
    %dma_start3A_72 = tpu.memref_slice %arg2[%add3A_69] : memref<262144xf32, #tpu.memory_space<hbm>> -> memref<1024xf32, #tpu.memory_space<hbm>>
    %dma_start3A_73 = arith.constant 5120 : i32
    %dma_start3A_74 = tpu.memref_slice %arg9[%dma_start3A_73] : memref<8192xf32, #tpu.memory_space<vmem>> -> memref<1024xf32, #tpu.memory_space<vmem>>
    %dma_start3A_75 = tpu.memref_slice %arg2[%add3A_69] : memref<262144xf32, #tpu.memory_space<hbm>> -> memref<1024xf32, #tpu.memory_space<hbm>>
    tpu.enqueue_dma source(%dma_start3A_75 : memref<1024xf32, #tpu.memory_space<hbm>>) target(%dma_start3A_74 : memref<1024xf32, #tpu.memory_space<vmem>>) target_semaphore(%arg18 : memref<!tpu.dma_semaphore, #tpu.memory_space<semaphore_mem>>)
    %add3A_76 = arith.constant 2 : i32
    %add3A_77 = arith.addi %mul3A_4, %add3A_76 : i32
    %mul3A_78 = arith.constant 1024 : i32
    %mul3A_79 = arith.muli %add3A_77, %mul3A_78 : i32
    %add3A_80 = arith.constant 131072 : i32
    %add3A_81 = arith.addi %add3A_80, %mul3A_79 : i32
    %dma_start3A_82 = arith.constant 6144 : i32
    %dma_start3A_83 = tpu.memref_slice %arg9[%dma_start3A_82] : memref<8192xf32, #tpu.memory_space<vmem>> -> memref<1024xf32, #tpu.memory_space<vmem>>
    %dma_start3A_84 = tpu.memref_slice %arg2[%add3A_81] : memref<262144xf32, #tpu.memory_space<hbm>> -> memref<1024xf32, #tpu.memory_space<hbm>>
    %dma_start3A_85 = arith.constant 6144 : i32
    %dma_start3A_86 = tpu.memref_slice %arg9[%dma_start3A_85] : memref<8192xf32, #tpu.memory_space<vmem>> -> memref<1024xf32, #tpu.memory_space<vmem>>
    %dma_start3A_87 = tpu.memref_slice %arg2[%add3A_81] : memref<262144xf32, #tpu.memory_space<hbm>> -> memref<1024xf32, #tpu.memory_space<hbm>>
    tpu.enqueue_dma source(%dma_start3A_87 : memref<1024xf32, #tpu.memory_space<hbm>>) target(%dma_start3A_86 : memref<1024xf32, #tpu.memory_space<vmem>>) target_semaphore(%arg18 : memref<!tpu.dma_semaphore, #tpu.memory_space<semaphore_mem>>)
    %add3A_88 = arith.constant 3 : i32
    %add3A_89 = arith.addi %mul3A_4, %add3A_88 : i32
    %mul3A_90 = arith.constant 1024 : i32
    %mul3A_91 = arith.muli %add3A_89, %mul3A_90 : i32
    %add3A_92 = arith.constant 131072 : i32
    %add3A_93 = arith.addi %add3A_92, %mul3A_91 : i32
    %dma_start3A_94 = arith.constant 7168 : i32
    %dma_start3A_95 = tpu.memref_slice %arg9[%dma_start3A_94] : memref<8192xf32, #tpu.memory_space<vmem>> -> memref<1024xf32, #tpu.memory_space<vmem>>
    %dma_start3A_96 = tpu.memref_slice %arg2[%add3A_93] : memref<262144xf32, #tpu.memory_space<hbm>> -> memref<1024xf32, #tpu.memory_space<hbm>>
    %dma_start3A_97 = arith.constant 7168 : i32
    %dma_start3A_98 = tpu.memref_slice %arg9[%dma_start3A_97] : memref<8192xf32, #tpu.memory_space<vmem>> -> memref<1024xf32, #tpu.memory_space<vmem>>
    %dma_start3A_99 = tpu.memref_slice %arg2[%add3A_93] : memref<262144xf32, #tpu.memory_space<hbm>> -> memref<1024xf32, #tpu.memory_space<hbm>>
    tpu.enqueue_dma source(%dma_start3A_99 : memref<1024xf32, #tpu.memory_space<hbm>>) target(%dma_start3A_98 : memref<1024xf32, #tpu.memory_space<vmem>>) target_semaphore(%arg18 : memref<!tpu.dma_semaphore, #tpu.memory_space<semaphore_mem>>)
    %dma_wait3A = arith.constant 0 : i32
    %dma_wait3A_100 = tpu.memref_slice %arg9[%dma_wait3A] : memref<8192xf32, #tpu.memory_space<vmem>> -> memref<1024xf32, #tpu.memory_space<vmem>>
    %dma_wait3A_101 = tpu.memref_slice %arg2[%add3A_10] : memref<262144xf32, #tpu.memory_space<hbm>> -> memref<1024xf32, #tpu.memory_space<hbm>>
    %dma_wait3A_102 = arith.constant 0 : i32
    %dma_wait3A_103 = tpu.memref_slice %arg9[%dma_wait3A_102] : memref<8192xf32, #tpu.memory_space<vmem>> -> memref<1024xf32, #tpu.memory_space<vmem>>
    %dma_wait3A_104 = tpu.memref_slice %arg2[%add3A_10] : memref<262144xf32, #tpu.memory_space<hbm>> -> memref<1024xf32, #tpu.memory_space<hbm>>
    tpu.wait_dma2 semaphore(%arg18 : memref<!tpu.dma_semaphore, #tpu.memory_space<semaphore_mem>>) src(%dma_wait3A_104 : memref<1024xf32, #tpu.memory_space<hbm>>) dst(%dma_wait3A_103 : memref<1024xf32, #tpu.memory_space<vmem>>)
    %dma_wait3A_105 = arith.constant 1024 : i32
    %dma_wait3A_106 = tpu.memref_slice %arg9[%dma_wait3A_105] : memref<8192xf32, #tpu.memory_space<vmem>> -> memref<1024xf32, #tpu.memory_space<vmem>>
    %dma_wait3A_107 = tpu.memref_slice %arg2[%add3A_21] : memref<262144xf32, #tpu.memory_space<hbm>> -> memref<1024xf32, #tpu.memory_space<hbm>>
    %dma_wait3A_108 = arith.constant 1024 : i32
    %dma_wait3A_109 = tpu.memref_slice %arg9[%dma_wait3A_108] : memref<8192xf32, #tpu.memory_space<vmem>> -> memref<1024xf32, #tpu.memory_space<vmem>>
    %dma_wait3A_110 = tpu.memref_slice %arg2[%add3A_21] : memref<262144xf32, #tpu.memory_space<hbm>> -> memref<1024xf32, #tpu.memory_space<hbm>>
    tpu.wait_dma2 semaphore(%arg18 : memref<!tpu.dma_semaphore, #tpu.memory_space<semaphore_mem>>) src(%dma_wait3A_110 : memref<1024xf32, #tpu.memory_space<hbm>>) dst(%dma_wait3A_109 : memref<1024xf32, #tpu.memory_space<vmem>>)
    %dma_wait3A_111 = arith.constant 2048 : i32
    %dma_wait3A_112 = tpu.memref_slice %arg9[%dma_wait3A_111] : memref<8192xf32, #tpu.memory_space<vmem>> -> memref<1024xf32, #tpu.memory_space<vmem>>
    %dma_wait3A_113 = tpu.memref_slice %arg2[%add3A_33] : memref<262144xf32, #tpu.memory_space<hbm>> -> memref<1024xf32, #tpu.memory_space<hbm>>
    %dma_wait3A_114 = arith.constant 2048 : i32
    %dma_wait3A_115 = tpu.memref_slice %arg9[%dma_wait3A_114] : memref<8192xf32, #tpu.memory_space<vmem>> -> memref<1024xf32, #tpu.memory_space<vmem>>
    %dma_wait3A_116 = tpu.memref_slice %arg2[%add3A_33] : memref<262144xf32, #tpu.memory_space<hbm>> -> memref<1024xf32, #tpu.memory_space<hbm>>
    tpu.wait_dma2 semaphore(%arg18 : memref<!tpu.dma_semaphore, #tpu.memory_space<semaphore_mem>>) src(%dma_wait3A_116 : memref<1024xf32, #tpu.memory_space<hbm>>) dst(%dma_wait3A_115 : memref<1024xf32, #tpu.memory_space<vmem>>)
    %dma_wait3A_117 = arith.constant 3072 : i32
    %dma_wait3A_118 = tpu.memref_slice %arg9[%dma_wait3A_117] : memref<8192xf32, #tpu.memory_space<vmem>> -> memref<1024xf32, #tpu.memory_space<vmem>>
    %dma_wait3A_119 = tpu.memref_slice %arg2[%add3A_45] : memref<262144xf32, #tpu.memory_space<hbm>> -> memref<1024xf32, #tpu.memory_space<hbm>>
    %dma_wait3A_120 = arith.constant 3072 : i32
    %dma_wait3A_121 = tpu.memref_slice %arg9[%dma_wait3A_120] : memref<8192xf32, #tpu.memory_space<vmem>> -> memref<1024xf32, #tpu.memory_space<vmem>>
    %dma_wait3A_122 = tpu.memref_slice %arg2[%add3A_45] : memref<262144xf32, #tpu.memory_space<hbm>> -> memref<1024xf32, #tpu.memory_space<hbm>>
    tpu.wait_dma2 semaphore(%arg18 : memref<!tpu.dma_semaphore, #tpu.memory_space<semaphore_mem>>) src(%dma_wait3A_122 : memref<1024xf32, #tpu.memory_space<hbm>>) dst(%dma_wait3A_121 : memref<1024xf32, #tpu.memory_space<vmem>>)
    %dma_wait3A_123 = arith.constant 4096 : i32
    %dma_wait3A_124 = tpu.memref_slice %arg9[%dma_wait3A_123] : memref<8192xf32, #tpu.memory_space<vmem>> -> memref<1024xf32, #tpu.memory_space<vmem>>
    %dma_wait3A_125 = tpu.memref_slice %arg2[%add3A_57] : memref<262144xf32, #tpu.memory_space<hbm>> -> memref<1024xf32, #tpu.memory_space<hbm>>
    %dma_wait3A_126 = arith.constant 4096 : i32
    %dma_wait3A_127 = tpu.memref_slice %arg9[%dma_wait3A_126] : memref<8192xf32, #tpu.memory_space<vmem>> -> memref<1024xf32, #tpu.memory_space<vmem>>
    %dma_wait3A_128 = tpu.memref_slice %arg2[%add3A_57] : memref<262144xf32, #tpu.memory_space<hbm>> -> memref<1024xf32, #tpu.memory_space<hbm>>
    tpu.wait_dma2 semaphore(%arg18 : memref<!tpu.dma_semaphore, #tpu.memory_space<semaphore_mem>>) src(%dma_wait3A_128 : memref<1024xf32, #tpu.memory_space<hbm>>) dst(%dma_wait3A_127 : memref<1024xf32, #tpu.memory_space<vmem>>)
    %dma_wait3A_129 = arith.constant 5120 : i32
    %dma_wait3A_130 = tpu.memref_slice %arg9[%dma_wait3A_129] : memref<8192xf32, #tpu.memory_space<vmem>> -> memref<1024xf32, #tpu.memory_space<vmem>>
    %dma_wait3A_131 = tpu.memref_slice %arg2[%add3A_69] : memref<262144xf32, #tpu.memory_space<hbm>> -> memref<1024xf32, #tpu.memory_space<hbm>>
    %dma_wait3A_132 = arith.constant 5120 : i32
    %dma_wait3A_133 = tpu.memref_slice %arg9[%dma_wait3A_132] : memref<8192xf32, #tpu.memory_space<vmem>> -> memref<1024xf32, #tpu.memory_space<vmem>>
    %dma_wait3A_134 = tpu.memref_slice %arg2[%add3A_69] : memref<262144xf32, #tpu.memory_space<hbm>> -> memref<1024xf32, #tpu.memory_space<hbm>>
    tpu.wait_dma2 semaphore(%arg18 : memref<!tpu.dma_semaphore, #tpu.memory_space<semaphore_mem>>) src(%dma_wait3A_134 : memref<1024xf32, #tpu.memory_space<hbm>>) dst(%dma_wait3A_133 : memref<1024xf32, #tpu.memory_space<vmem>>)
    %dma_wait3A_135 = arith.constant 6144 : i32
    %dma_wait3A_136 = tpu.memref_slice %arg9[%dma_wait3A_135] : memref<8192xf32, #tpu.memory_space<vmem>> -> memref<1024xf32, #tpu.memory_space<vmem>>
    %dma_wait3A_137 = tpu.memref_slice %arg2[%add3A_81] : memref<262144xf32, #tpu.memory_space<hbm>> -> memref<1024xf32, #tpu.memory_space<hbm>>
    %dma_wait3A_138 = arith.constant 6144 : i32
    %dma_wait3A_139 = tpu.memref_slice %arg9[%dma_wait3A_138] : memref<8192xf32, #tpu.memory_space<vmem>> -> memref<1024xf32, #tpu.memory_space<vmem>>
    %dma_wait3A_140 = tpu.memref_slice %arg2[%add3A_81] : memref<262144xf32, #tpu.memory_space<hbm>> -> memref<1024xf32, #tpu.memory_space<hbm>>
    tpu.wait_dma2 semaphore(%arg18 : memref<!tpu.dma_semaphore, #tpu.memory_space<semaphore_mem>>) src(%dma_wait3A_140 : memref<1024xf32, #tpu.memory_space<hbm>>) dst(%dma_wait3A_139 : memref<1024xf32, #tpu.memory_space<vmem>>)
    %dma_wait3A_141 = arith.constant 7168 : i32
    %dma_wait3A_142 = tpu.memref_slice %arg9[%dma_wait3A_141] : memref<8192xf32, #tpu.memory_space<vmem>> -> memref<1024xf32, #tpu.memory_space<vmem>>
    %dma_wait3A_143 = tpu.memref_slice %arg2[%add3A_93] : memref<262144xf32, #tpu.memory_space<hbm>> -> memref<1024xf32, #tpu.memory_space<hbm>>
    %dma_wait3A_144 = arith.constant 7168 : i32
    %dma_wait3A_145 = tpu.memref_slice %arg9[%dma_wait3A_144] : memref<8192xf32, #tpu.memory_space<vmem>> -> memref<1024xf32, #tpu.memory_space<vmem>>
    %dma_wait3A_146 = tpu.memref_slice %arg2[%add3A_93] : memref<262144xf32, #tpu.memory_space<hbm>> -> memref<1024xf32, #tpu.memory_space<hbm>>
    tpu.wait_dma2 semaphore(%arg18 : memref<!tpu.dma_semaphore, #tpu.memory_space<semaphore_mem>>) src(%dma_wait3A_146 : memref<1024xf32, #tpu.memory_space<hbm>>) dst(%dma_wait3A_145 : memref<1024xf32, #tpu.memory_space<vmem>>)
    %iota3A = tpu.iota {dimensions = array<i32: 0>} : vector<16xi32>
    %broadcast_in_dim3A = arith.constant 0.000000e+00 : f32
    %broadcast_in_dim3A_147 = vector.broadcast %broadcast_in_dim3A : f32 to vector<16xf32>
    %scan3A = arith.constant 0 : i32
    %scan3A_148 = arith.constant 32 : i32
    %scan3A_149 = arith.addi %scan3A, %scan3A_148 : i32
    %scan3A_150 = arith.constant 1 : i32
    %scan3A_151:32 = scf.for %scan3A_362 = %scan3A to %scan3A_149 step %scan3A_150 iter_args(%scan3A_363 = %broadcast_in_dim3A_147, %scan3A_364 = %broadcast_in_dim3A_147, %scan3A_365 = %broadcast_in_dim3A_147, %scan3A_366 = %broadcast_in_dim3A_147, %scan3A_367 = %broadcast_in_dim3A_147, %scan3A_368 = %broadcast_in_dim3A_147, %scan3A_369 = %broadcast_in_dim3A_147, %scan3A_370 = %broadcast_in_dim3A_147, %scan3A_371 = %broadcast_in_dim3A_147, %scan3A_372 = %broadcast_in_dim3A_147, %scan3A_373 = %broadcast_in_dim3A_147, %scan3A_374 = %broadcast_in_dim3A_147, %scan3A_375 = %broadcast_in_dim3A_147, %scan3A_376 = %broadcast_in_dim3A_147, %scan3A_377 = %broadcast_in_dim3A_147, %scan3A_378 = %broadcast_in_dim3A_147, %scan3A_379 = %broadcast_in_dim3A_147, %scan3A_380 = %broadcast_in_dim3A_147, %scan3A_381 = %broadcast_in_dim3A_147, %scan3A_382 = %broadcast_in_dim3A_147, %scan3A_383 = %broadcast_in_dim3A_147, %scan3A_384 = %broadcast_in_dim3A_147, %scan3A_385 = %broadcast_in_dim3A_147, %scan3A_386 = %broadcast_in_dim3A_147, %scan3A_387 = %broadcast_in_dim3A_147, %scan3A_388 = %broadcast_in_dim3A_147, %scan3A_389 = %broadcast_in_dim3A_147, %scan3A_390 = %broadcast_in_dim3A_147, %scan3A_391 = %broadcast_in_dim3A_147, %scan3A_392 = %broadcast_in_dim3A_147, %scan3A_393 = %broadcast_in_dim3A_147, %scan3A_394 = %broadcast_in_dim3A_147) -> (vector<16xf32>, vector<16xf32>, vector<16xf32>, vector<16xf32>, vector<16xf32>, vector<16xf32>, vector<16xf32>, vector<16xf32>, vector<16xf32>, vector<16xf32>, vector<16xf32>, vector<16xf32>, vector<16xf32>, vector<16xf32>, vector<16xf32>, vector<16xf32>, vector<16xf32>, vector<16xf32>, vector<16xf32>, vector<16xf32>, vector<16xf32>, vector<16xf32>, vector<16xf32>, vector<16xf32>, vector<16xf32>, vector<16xf32>, vector<16xf32>, vector<16xf32>, vector<16xf32>, vector<16xf32>, vector<16xf32>, vector<16xf32>)  : i32 {
      %jit3A = arith.constant 8 : i32
      %div3A = arith.divsi %scan3A_362, %jit3A : i32
      %sign3A = arith.constant 0 : i32
      %sign3A_395 = arith.cmpi sgt, %scan3A_362, %sign3A : i32
      %sign3A_396 = arith.extui %sign3A_395 : i1 to i32
      %sign3A_397 = arith.constant 0 : i32
      %sign3A_398 = arith.cmpi slt, %scan3A_362, %sign3A_397 : i32
      %sign3A_399 = arith.extui %sign3A_398 : i1 to i32
      %sign3A_400 = arith.subi %sign3A_396, %sign3A_399 : i32
      %sign3A_401 = arith.constant 0 : i32
      %sign3A_402 = arith.cmpi sgt, %jit3A, %sign3A_401 : i32
      %sign3A_403 = arith.extui %sign3A_402 : i1 to i32
      %sign3A_404 = arith.constant 0 : i32
      %sign3A_405 = arith.cmpi slt, %jit3A, %sign3A_404 : i32
      %sign3A_406 = arith.extui %sign3A_405 : i1 to i32
      %sign3A_407 = arith.subi %sign3A_403, %sign3A_406 : i32
      %ne3A = arith.cmpi ne, %sign3A_400, %sign3A_407 : i32
      %rem3A = arith.remsi %scan3A_362, %jit3A : i32
      %ne3A_408 = arith.constant 0 : i32
      %ne3A_409 = arith.cmpi ne, %rem3A, %ne3A_408 : i32
      %and3A = arith.andi %ne3A, %ne3A_409 : i1
      %sub3A = arith.constant 1 : i32
      %sub3A_410 = arith.subi %div3A, %sub3A : i32
      %select_n3A = arith.select %and3A, %sub3A_410, %div3A : i32
      %mul3A_411 = arith.constant 1024 : i32
      %mul3A_412 = arith.muli %select_n3A, %mul3A_411 : i32
      %jit3A_413 = arith.constant 8 : i32
      %eq3A = arith.constant 0 : i32
      %eq3A_414 = arith.cmpi eq, %jit3A_413, %eq3A : i32
      %jit3A_415 = arith.constant 1 : i32
      %select_n3A_416 = arith.select %eq3A_414, %jit3A_415, %jit3A_413 : i32
      %rem3A_417 = arith.remsi %scan3A_362, %select_n3A_416 : i32
      %ne3A_418 = arith.constant 0 : i32
      %ne3A_419 = arith.cmpi ne, %rem3A_417, %ne3A_418 : i32
      %lt3A = arith.constant 0 : i32
      %lt3A_420 = arith.cmpi slt, %rem3A_417, %lt3A : i32
      %lt3A_421 = arith.constant 0 : i32
      %lt3A_422 = arith.cmpi slt, %select_n3A_416, %lt3A_421 : i32
      %ne3A_423 = arith.xori %lt3A_420, %lt3A_422 : i1
      %and3A_424 = arith.andi %ne3A_423, %ne3A_419 : i1
      %add3A_425 = arith.addi %rem3A_417, %select_n3A_416 : i32
      %select_n3A_426 = arith.select %and3A_424, %add3A_425, %rem3A_417 : i32
      %mul3A_427 = arith.constant 16 : i32
      %mul3A_428 = arith.muli %select_n3A_426, %mul3A_427 : i32
      %add3A_429 = arith.addi %mul3A_412, %mul3A_428 : i32
      %add3A_430 = arith.constant 0 : i32
      %add3A_431 = arith.addi %add3A_429, %add3A_430 : i32
      %add3A_432 = arith.constant 0 : i32
      %add3A_433 = arith.addi %add3A_431, %add3A_432 : i32
      %get3A = arith.index_cast %add3A_433 : i32 to index
      %get3A_434 = tpu.vector_load %arg9[%get3A] {strides = array<i32>} : memref<8192xf32, #tpu.memory_space<vmem>>, vector<16xf32>,
      %add3A_435 = arith.constant 0 : i32
      %add3A_436 = arith.addi %add3A_429, %add3A_435 : i32
      %add3A_437 = arith.constant 128 : i32
      %add3A_438 = arith.addi %add3A_436, %add3A_437 : i32
      %get3A_439 = arith.index_cast %add3A_438 : i32 to index
      %get3A_440 = tpu.vector_load %arg9[%get3A_439] {strides = array<i32>} : memref<8192xf32, #tpu.memory_space<vmem>>, vector<16xf32>,
      %add3A_441 = arith.constant 0 : i32
      %add3A_442 = arith.addi %add3A_429, %add3A_441 : i32
      %add3A_443 = arith.constant 256 : i32
      %add3A_444 = arith.addi %add3A_442, %add3A_443 : i32
      %get3A_445 = arith.index_cast %add3A_444 : i32 to index
      %get3A_446 = tpu.vector_load %arg9[%get3A_445] {strides = array<i32>} : memref<8192xf32, #tpu.memory_space<vmem>>, vector<16xf32>,
      %add3A_447 = arith.constant 0 : i32
      %add3A_448 = arith.addi %add3A_429, %add3A_447 : i32
      %add3A_449 = arith.constant 384 : i32
      %add3A_450 = arith.addi %add3A_448, %add3A_449 : i32
      %get3A_451 = arith.index_cast %add3A_450 : i32 to index
      %get3A_452 = tpu.vector_load %arg9[%get3A_451] {strides = array<i32>} : memref<8192xf32, #tpu.memory_space<vmem>>, vector<16xf32>,
      %add3A_453 = arith.constant 0 : i32
      %add3A_454 = arith.addi %add3A_429, %add3A_453 : i32
      %add3A_455 = arith.constant 512 : i32
      %add3A_456 = arith.addi %add3A_454, %add3A_455 : i32
      %get3A_457 = arith.index_cast %add3A_456 : i32 to index
      %get3A_458 = tpu.vector_load %arg9[%get3A_457] {strides = array<i32>} : memref<8192xf32, #tpu.memory_space<vmem>>, vector<16xf32>,
      %add3A_459 = arith.constant 0 : i32
      %add3A_460 = arith.addi %add3A_429, %add3A_459 : i32
      %add3A_461 = arith.constant 640 : i32
      %add3A_462 = arith.addi %add3A_460, %add3A_461 : i32
      %get3A_463 = arith.index_cast %add3A_462 : i32 to index
      %get3A_464 = tpu.vector_load %arg9[%get3A_463] {strides = array<i32>} : memref<8192xf32, #tpu.memory_space<vmem>>, vector<16xf32>,
      %add3A_465 = arith.constant 0 : i32
      %add3A_466 = arith.addi %add3A_429, %add3A_465 : i32
      %add3A_467 = arith.constant 768 : i32
      %add3A_468 = arith.addi %add3A_466, %add3A_467 : i32
      %get3A_469 = arith.index_cast %add3A_468 : i32 to index
      %get3A_470 = tpu.vector_load %arg9[%get3A_469] {strides = array<i32>} : memref<8192xf32, #tpu.memory_space<vmem>>, vector<16xf32>,
      %add3A_471 = arith.constant 0 : i32
      %add3A_472 = arith.addi %add3A_429, %add3A_471 : i32
      %add3A_473 = arith.constant 896 : i32
      %add3A_474 = arith.addi %add3A_472, %add3A_473 : i32
      %get3A_475 = arith.index_cast %add3A_474 : i32 to index
      %get3A_476 = tpu.vector_load %arg9[%get3A_475] {strides = array<i32>} : memref<8192xf32, #tpu.memory_space<vmem>>, vector<16xf32>,
      %add3A_477 = arith.constant 4096 : i32
      %add3A_478 = arith.addi %add3A_429, %add3A_477 : i32
      %add3A_479 = arith.constant 0 : i32
      %add3A_480 = arith.addi %add3A_478, %add3A_479 : i32
      %get3A_481 = arith.index_cast %add3A_480 : i32 to index
      %get3A_482 = tpu.vector_load %arg9[%get3A_481] {strides = array<i32>} : memref<8192xf32, #tpu.memory_space<vmem>>, vector<16xf32>,
      %add3A_483 = arith.constant 4096 : i32
      %add3A_484 = arith.addi %add3A_429, %add3A_483 : i32
      %add3A_485 = arith.constant 128 : i32
      %add3A_486 = arith.addi %add3A_484, %add3A_485 : i32
      %get3A_487 = arith.index_cast %add3A_486 : i32 to index
      %get3A_488 = tpu.vector_load %arg9[%get3A_487] {strides = array<i32>} : memref<8192xf32, #tpu.memory_space<vmem>>, vector<16xf32>,
      %add3A_489 = arith.constant 4096 : i32
      %add3A_490 = arith.addi %add3A_429, %add3A_489 : i32
      %add3A_491 = arith.constant 256 : i32
      %add3A_492 = arith.addi %add3A_490, %add3A_491 : i32
      %get3A_493 = arith.index_cast %add3A_492 : i32 to index
      %get3A_494 = tpu.vector_load %arg9[%get3A_493] {strides = array<i32>} : memref<8192xf32, #tpu.memory_space<vmem>>, vector<16xf32>,
      %add3A_495 = arith.constant 4096 : i32
      %add3A_496 = arith.addi %add3A_429, %add3A_495 : i32
      %add3A_497 = arith.constant 384 : i32
      %add3A_498 = arith.addi %add3A_496, %add3A_497 : i32
      %get3A_499 = arith.index_cast %add3A_498 : i32 to index
      %get3A_500 = tpu.vector_load %arg9[%get3A_499] {strides = array<i32>} : memref<8192xf32, #tpu.memory_space<vmem>>, vector<16xf32>,
      %add3A_501 = arith.constant 4096 : i32
      %add3A_502 = arith.addi %add3A_429, %add3A_501 : i32
      %add3A_503 = arith.constant 512 : i32
      %add3A_504 = arith.addi %add3A_502, %add3A_503 : i32
      %get3A_505 = arith.index_cast %add3A_504 : i32 to index
      %get3A_506 = tpu.vector_load %arg9[%get3A_505] {strides = array<i32>} : memref<8192xf32, #tpu.memory_space<vmem>>, vector<16xf32>,
      %add3A_507 = arith.constant 4096 : i32
      %add3A_508 = arith.addi %add3A_429, %add3A_507 : i32
      %add3A_509 = arith.constant 640 : i32
      %add3A_510 = arith.addi %add3A_508, %add3A_509 : i32
      %get3A_511 = arith.index_cast %add3A_510 : i32 to index
      %get3A_512 = tpu.vector_load %arg9[%get3A_511] {strides = array<i32>} : memref<8192xf32, #tpu.memory_space<vmem>>, vector<16xf32>,
      %add3A_513 = arith.constant 4096 : i32
      %add3A_514 = arith.addi %add3A_429, %add3A_513 : i32
      %add3A_515 = arith.constant 768 : i32
      %add3A_516 = arith.addi %add3A_514, %add3A_515 : i32
      %get3A_517 = arith.index_cast %add3A_516 : i32 to index
      %get3A_518 = tpu.vector_load %arg9[%get3A_517] {strides = array<i32>} : memref<8192xf32, #tpu.memory_space<vmem>>, vector<16xf32>,
      %add3A_519 = arith.constant 4096 : i32
      %add3A_520 = arith.addi %add3A_429, %add3A_519 : i32
      %add3A_521 = arith.constant 896 : i32
      %add3A_522 = arith.addi %add3A_520, %add3A_521 : i32
      %get3A_523 = arith.index_cast %add3A_522 : i32 to index
      %get3A_524 = tpu.vector_load %arg9[%get3A_523] {strides = array<i32>} : memref<8192xf32, #tpu.memory_space<vmem>>, vector<16xf32>,
      %max3A = arith.maximumf %get3A_434, %get3A_440 : vector<16xf32>
      %max3A_525 = arith.maximumf %max3A, %get3A_446 : vector<16xf32>
      %max3A_526 = arith.maximumf %max3A_525, %get3A_452 : vector<16xf32>
      %max3A_527 = arith.maximumf %max3A_526, %get3A_458 : vector<16xf32>
      %max3A_528 = arith.maximumf %max3A_527, %get3A_464 : vector<16xf32>
      %max3A_529 = arith.maximumf %max3A_528, %get3A_470 : vector<16xf32>
      %max3A_530 = arith.maximumf %max3A_529, %get3A_476 : vector<16xf32>
      %max3A_531 = arith.maximumf %max3A_530, %get3A_482 : vector<16xf32>
      %max3A_532 = arith.maximumf %max3A_531, %get3A_488 : vector<16xf32>
      %max3A_533 = arith.maximumf %max3A_532, %get3A_494 : vector<16xf32>
      %max3A_534 = arith.maximumf %max3A_533, %get3A_500 : vector<16xf32>
      %max3A_535 = arith.maximumf %max3A_534, %get3A_506 : vector<16xf32>
      %max3A_536 = arith.maximumf %max3A_535, %get3A_512 : vector<16xf32>
      %max3A_537 = arith.maximumf %max3A_536, %get3A_518 : vector<16xf32>
      %max3A_538 = arith.maximumf %max3A_537, %get3A_524 : vector<16xf32>
      %sub3A_539 = arith.subf %get3A_434, %max3A_538 : vector<16xf32>
      %exp3A = math.exp %sub3A_539 : vector<16xf32>
      %sub3A_540 = arith.subf %get3A_440, %max3A_538 : vector<16xf32>
      %exp3A_541 = math.exp %sub3A_540 : vector<16xf32>
      %sub3A_542 = arith.subf %get3A_446, %max3A_538 : vector<16xf32>
      %exp3A_543 = math.exp %sub3A_542 : vector<16xf32>
      %sub3A_544 = arith.subf %get3A_452, %max3A_538 : vector<16xf32>
      %exp3A_545 = math.exp %sub3A_544 : vector<16xf32>
      %sub3A_546 = arith.subf %get3A_458, %max3A_538 : vector<16xf32>
      %exp3A_547 = math.exp %sub3A_546 : vector<16xf32>
      %sub3A_548 = arith.subf %get3A_464, %max3A_538 : vector<16xf32>
      %exp3A_549 = math.exp %sub3A_548 : vector<16xf32>
      %sub3A_550 = arith.subf %get3A_470, %max3A_538 : vector<16xf32>
      %exp3A_551 = math.exp %sub3A_550 : vector<16xf32>
      %sub3A_552 = arith.subf %get3A_476, %max3A_538 : vector<16xf32>
      %exp3A_553 = math.exp %sub3A_552 : vector<16xf32>
      %sub3A_554 = arith.subf %get3A_482, %max3A_538 : vector<16xf32>
      %exp3A_555 = math.exp %sub3A_554 : vector<16xf32>
      %sub3A_556 = arith.subf %get3A_488, %max3A_538 : vector<16xf32>
      %exp3A_557 = math.exp %sub3A_556 : vector<16xf32>
      %sub3A_558 = arith.subf %get3A_494, %max3A_538 : vector<16xf32>
      %exp3A_559 = math.exp %sub3A_558 : vector<16xf32>
      %sub3A_560 = arith.subf %get3A_500, %max3A_538 : vector<16xf32>
      %exp3A_561 = math.exp %sub3A_560 : vector<16xf32>
      %sub3A_562 = arith.subf %get3A_506, %max3A_538 : vector<16xf32>
      %exp3A_563 = math.exp %sub3A_562 : vector<16xf32>
      %sub3A_564 = arith.subf %get3A_512, %max3A_538 : vector<16xf32>
      %exp3A_565 = math.exp %sub3A_564 : vector<16xf32>
      %sub3A_566 = arith.subf %get3A_518, %max3A_538 : vector<16xf32>
      %exp3A_567 = math.exp %sub3A_566 : vector<16xf32>
      %sub3A_568 = arith.subf %get3A_524, %max3A_538 : vector<16xf32>
      %exp3A_569 = math.exp %sub3A_568 : vector<16xf32>
      %add3A_570 = arith.addf %exp3A, %exp3A_541 : vector<16xf32>
      %add3A_571 = arith.addf %add3A_570, %exp3A_543 : vector<16xf32>
      %add3A_572 = arith.addf %add3A_571, %exp3A_545 : vector<16xf32>
      %add3A_573 = arith.addf %add3A_572, %exp3A_547 : vector<16xf32>
      %add3A_574 = arith.addf %add3A_573, %exp3A_549 : vector<16xf32>
      %add3A_575 = arith.addf %add3A_574, %exp3A_551 : vector<16xf32>
      %add3A_576 = arith.addf %add3A_575, %exp3A_553 : vector<16xf32>
      %add3A_577 = arith.addf %add3A_576, %exp3A_555 : vector<16xf32>
      %add3A_578 = arith.addf %add3A_577, %exp3A_557 : vector<16xf32>
      %add3A_579 = arith.addf %add3A_578, %exp3A_559 : vector<16xf32>
      %add3A_580 = arith.addf %add3A_579, %exp3A_561 : vector<16xf32>
      %add3A_581 = arith.addf %add3A_580, %exp3A_563 : vector<16xf32>
      %add3A_582 = arith.addf %add3A_581, %exp3A_565 : vector<16xf32>
      %add3A_583 = arith.addf %add3A_582, %exp3A_567 : vector<16xf32>
      %add3A_584 = arith.addf %add3A_583, %exp3A_569 : vector<16xf32>
      %div3A_585 = arith.constant 1.000000e+00 : f32
      %div3A_586 = vector.broadcast %div3A_585 : f32 to vector<16xf32>
      %div3A_587 = arith.divf %div3A_586, %add3A_584 : vector<16xf32>
      %mul3A_588 = arith.mulf %exp3A, %div3A_587 : vector<16xf32>
      %add3A_589 = arith.addf %scan3A_363, %mul3A_588 : vector<16xf32>
      %mul3A_590 = arith.mulf %exp3A_541, %div3A_587 : vector<16xf32>
      %add3A_591 = arith.addf %scan3A_364, %mul3A_590 : vector<16xf32>
      %mul3A_592 = arith.mulf %exp3A_543, %div3A_587 : vector<16xf32>
      %add3A_593 = arith.addf %scan3A_365, %mul3A_592 : vector<16xf32>
      %mul3A_594 = arith.mulf %exp3A_545, %div3A_587 : vector<16xf32>
      %add3A_595 = arith.addf %scan3A_366, %mul3A_594 : vector<16xf32>
      %mul3A_596 = arith.mulf %exp3A_547, %div3A_587 : vector<16xf32>
      %add3A_597 = arith.addf %scan3A_367, %mul3A_596 : vector<16xf32>
      %mul3A_598 = arith.mulf %exp3A_549, %div3A_587 : vector<16xf32>
      %add3A_599 = arith.addf %scan3A_368, %mul3A_598 : vector<16xf32>
      %mul3A_600 = arith.mulf %exp3A_551, %div3A_587 : vector<16xf32>
      %add3A_601 = arith.addf %scan3A_369, %mul3A_600 : vector<16xf32>
      %mul3A_602 = arith.mulf %exp3A_553, %div3A_587 : vector<16xf32>
      %add3A_603 = arith.addf %scan3A_370, %mul3A_602 : vector<16xf32>
      %mul3A_604 = arith.mulf %exp3A_555, %div3A_587 : vector<16xf32>
      %add3A_605 = arith.addf %scan3A_371, %mul3A_604 : vector<16xf32>
      %mul3A_606 = arith.mulf %exp3A_557, %div3A_587 : vector<16xf32>
      %add3A_607 = arith.addf %scan3A_372, %mul3A_606 : vector<16xf32>
      %mul3A_608 = arith.mulf %exp3A_559, %div3A_587 : vector<16xf32>
      %add3A_609 = arith.addf %scan3A_373, %mul3A_608 : vector<16xf32>
      %mul3A_610 = arith.mulf %exp3A_561, %div3A_587 : vector<16xf32>
      %add3A_611 = arith.addf %scan3A_374, %mul3A_610 : vector<16xf32>
      %mul3A_612 = arith.mulf %exp3A_563, %div3A_587 : vector<16xf32>
      %add3A_613 = arith.addf %scan3A_375, %mul3A_612 : vector<16xf32>
      %mul3A_614 = arith.mulf %exp3A_565, %div3A_587 : vector<16xf32>
      %add3A_615 = arith.addf %scan3A_376, %mul3A_614 : vector<16xf32>
      %mul3A_616 = arith.mulf %exp3A_567, %div3A_587 : vector<16xf32>
      %add3A_617 = arith.addf %scan3A_377, %mul3A_616 : vector<16xf32>
      %mul3A_618 = arith.mulf %exp3A_569, %div3A_587 : vector<16xf32>
      %add3A_619 = arith.addf %scan3A_378, %mul3A_618 : vector<16xf32>
      %broadcast_in_dim3A_620 = arith.constant 0 : i32
      %broadcast_in_dim3A_621 = vector.broadcast %broadcast_in_dim3A_620 : i32 to vector<16xi32>
      %broadcast_in_dim3A_622 = arith.constant -1.000000e+00 : f32
      %broadcast_in_dim3A_623 = vector.broadcast %broadcast_in_dim3A_622 : f32 to vector<16xf32>
      %broadcast_in_dim3A_624 = arith.constant 0 : i32
      %broadcast_in_dim3A_625 = vector.broadcast %broadcast_in_dim3A_624 : i32 to vector<16xi32>
      %broadcast_in_dim3A_626 = arith.constant 1 : i32
      %broadcast_in_dim3A_627 = vector.broadcast %broadcast_in_dim3A_626 : i32 to vector<16xi32>
      %gt3A = arith.cmpf ogt, %exp3A_541, %exp3A : vector<16xf32>
      %gt3A_628 = arith.cmpf ogt, %exp3A_541, %broadcast_in_dim3A_623 : vector<16xf32>
      %select_n3A_629 = arith.select %gt3A_628, %exp3A_541, %broadcast_in_dim3A_623 : vector<16xi1>, vector<16xf32>
      %select_n3A_630 = arith.select %gt3A, %exp3A, %select_n3A_629 : vector<16xi1>, vector<16xf32>
      %select_n3A_631 = arith.select %gt3A_628, %broadcast_in_dim3A_627, %broadcast_in_dim3A_625 : vector<16xi1>, vector<16xi32>
      %select_n3A_632 = arith.select %gt3A, %broadcast_in_dim3A_621, %select_n3A_631 : vector<16xi1>, vector<16xi32>
      %select_n3A_633 = arith.select %gt3A, %exp3A_541, %exp3A : vector<16xi1>, vector<16xf32>
      %select_n3A_634 = arith.select %gt3A, %broadcast_in_dim3A_627, %broadcast_in_dim3A_621 : vector<16xi1>, vector<16xi32>
      %broadcast_in_dim3A_635 = arith.constant 2 : i32
      %broadcast_in_dim3A_636 = vector.broadcast %broadcast_in_dim3A_635 : i32 to vector<16xi32>
      %gt3A_637 = arith.cmpf ogt, %exp3A_543, %select_n3A_633 : vector<16xf32>
      %gt3A_638 = arith.cmpf ogt, %exp3A_543, %select_n3A_630 : vector<16xf32>
      %select_n3A_639 = arith.select %gt3A_638, %exp3A_543, %select_n3A_630 : vector<16xi1>, vector<16xf32>
      %select_n3A_640 = arith.select %gt3A_637, %select_n3A_633, %select_n3A_639 : vector<16xi1>, vector<16xf32>
      %select_n3A_641 = arith.select %gt3A_638, %broadcast_in_dim3A_636, %select_n3A_632 : vector<16xi1>, vector<16xi32>
      %select_n3A_642 = arith.select %gt3A_637, %select_n3A_634, %select_n3A_641 : vector<16xi1>, vector<16xi32>
      %select_n3A_643 = arith.select %gt3A_637, %exp3A_543, %select_n3A_633 : vector<16xi1>, vector<16xf32>
      %select_n3A_644 = arith.select %gt3A_637, %broadcast_in_dim3A_636, %select_n3A_634 : vector<16xi1>, vector<16xi32>
      %broadcast_in_dim3A_645 = arith.constant 3 : i32
      %broadcast_in_dim3A_646 = vector.broadcast %broadcast_in_dim3A_645 : i32 to vector<16xi32>
      %gt3A_647 = arith.cmpf ogt, %exp3A_545, %select_n3A_643 : vector<16xf32>
      %gt3A_648 = arith.cmpf ogt, %exp3A_545, %select_n3A_640 : vector<16xf32>
      %select_n3A_649 = arith.select %gt3A_648, %exp3A_545, %select_n3A_640 : vector<16xi1>, vector<16xf32>
      %select_n3A_650 = arith.select %gt3A_647, %select_n3A_643, %select_n3A_649 : vector<16xi1>, vector<16xf32>
      %select_n3A_651 = arith.select %gt3A_648, %broadcast_in_dim3A_646, %select_n3A_642 : vector<16xi1>, vector<16xi32>
      %select_n3A_652 = arith.select %gt3A_647, %select_n3A_644, %select_n3A_651 : vector<16xi1>, vector<16xi32>
      %select_n3A_653 = arith.select %gt3A_647, %exp3A_545, %select_n3A_643 : vector<16xi1>, vector<16xf32>
      %select_n3A_654 = arith.select %gt3A_647, %broadcast_in_dim3A_646, %select_n3A_644 : vector<16xi1>, vector<16xi32>
      %broadcast_in_dim3A_655 = arith.constant 4 : i32
      %broadcast_in_dim3A_656 = vector.broadcast %broadcast_in_dim3A_655 : i32 to vector<16xi32>
      %gt3A_657 = arith.cmpf ogt, %exp3A_547, %select_n3A_653 : vector<16xf32>
      %gt3A_658 = arith.cmpf ogt, %exp3A_547, %select_n3A_650 : vector<16xf32>
      %select_n3A_659 = arith.select %gt3A_658, %exp3A_547, %select_n3A_650 : vector<16xi1>, vector<16xf32>
      %select_n3A_660 = arith.select %gt3A_657, %select_n3A_653, %select_n3A_659 : vector<16xi1>, vector<16xf32>
      %select_n3A_661 = arith.select %gt3A_658, %broadcast_in_dim3A_656, %select_n3A_652 : vector<16xi1>, vector<16xi32>
      %select_n3A_662 = arith.select %gt3A_657, %select_n3A_654, %select_n3A_661 : vector<16xi1>, vector<16xi32>
      %select_n3A_663 = arith.select %gt3A_657, %exp3A_547, %select_n3A_653 : vector<16xi1>, vector<16xf32>
      %select_n3A_664 = arith.select %gt3A_657, %broadcast_in_dim3A_656, %select_n3A_654 : vector<16xi1>, vector<16xi32>
      %broadcast_in_dim3A_665 = arith.constant 5 : i32
      %broadcast_in_dim3A_666 = vector.broadcast %broadcast_in_dim3A_665 : i32 to vector<16xi32>
      %gt3A_667 = arith.cmpf ogt, %exp3A_549, %select_n3A_663 : vector<16xf32>
      %gt3A_668 = arith.cmpf ogt, %exp3A_549, %select_n3A_660 : vector<16xf32>
      %select_n3A_669 = arith.select %gt3A_668, %exp3A_549, %select_n3A_660 : vector<16xi1>, vector<16xf32>
      %select_n3A_670 = arith.select %gt3A_667, %select_n3A_663, %select_n3A_669 : vector<16xi1>, vector<16xf32>
      %select_n3A_671 = arith.select %gt3A_668, %broadcast_in_dim3A_666, %select_n3A_662 : vector<16xi1>, vector<16xi32>
      %select_n3A_672 = arith.select %gt3A_667, %select_n3A_664, %select_n3A_671 : vector<16xi1>, vector<16xi32>
      %select_n3A_673 = arith.select %gt3A_667, %exp3A_549, %select_n3A_663 : vector<16xi1>, vector<16xf32>
      %select_n3A_674 = arith.select %gt3A_667, %broadcast_in_dim3A_666, %select_n3A_664 : vector<16xi1>, vector<16xi32>
      %broadcast_in_dim3A_675 = arith.constant 6 : i32
      %broadcast_in_dim3A_676 = vector.broadcast %broadcast_in_dim3A_675 : i32 to vector<16xi32>
      %gt3A_677 = arith.cmpf ogt, %exp3A_551, %select_n3A_673 : vector<16xf32>
      %gt3A_678 = arith.cmpf ogt, %exp3A_551, %select_n3A_670 : vector<16xf32>
      %select_n3A_679 = arith.select %gt3A_678, %exp3A_551, %select_n3A_670 : vector<16xi1>, vector<16xf32>
      %select_n3A_680 = arith.select %gt3A_677, %select_n3A_673, %select_n3A_679 : vector<16xi1>, vector<16xf32>
      %select_n3A_681 = arith.select %gt3A_678, %broadcast_in_dim3A_676, %select_n3A_672 : vector<16xi1>, vector<16xi32>
      %select_n3A_682 = arith.select %gt3A_677, %select_n3A_674, %select_n3A_681 : vector<16xi1>, vector<16xi32>
      %select_n3A_683 = arith.select %gt3A_677, %exp3A_551, %select_n3A_673 : vector<16xi1>, vector<16xf32>
      %select_n3A_684 = arith.select %gt3A_677, %broadcast_in_dim3A_676, %select_n3A_674 : vector<16xi1>, vector<16xi32>
      %broadcast_in_dim3A_685 = arith.constant 7 : i32
      %broadcast_in_dim3A_686 = vector.broadcast %broadcast_in_dim3A_685 : i32 to vector<16xi32>
      %gt3A_687 = arith.cmpf ogt, %exp3A_553, %select_n3A_683 : vector<16xf32>
      %gt3A_688 = arith.cmpf ogt, %exp3A_553, %select_n3A_680 : vector<16xf32>
      %select_n3A_689 = arith.select %gt3A_688, %exp3A_553, %select_n3A_680 : vector<16xi1>, vector<16xf32>
      %select_n3A_690 = arith.select %gt3A_687, %select_n3A_683, %select_n3A_689 : vector<16xi1>, vector<16xf32>
      %select_n3A_691 = arith.select %gt3A_688, %broadcast_in_dim3A_686, %select_n3A_682 : vector<16xi1>, vector<16xi32>
      %select_n3A_692 = arith.select %gt3A_687, %select_n3A_684, %select_n3A_691 : vector<16xi1>, vector<16xi32>
      %select_n3A_693 = arith.select %gt3A_687, %exp3A_553, %select_n3A_683 : vector<16xi1>, vector<16xf32>
      %select_n3A_694 = arith.select %gt3A_687, %broadcast_in_dim3A_686, %select_n3A_684 : vector<16xi1>, vector<16xi32>
      %broadcast_in_dim3A_695 = arith.constant 8 : i32
      %broadcast_in_dim3A_696 = vector.broadcast %broadcast_in_dim3A_695 : i32 to vector<16xi32>
      %gt3A_697 = arith.cmpf ogt, %exp3A_555, %select_n3A_693 : vector<16xf32>
      %gt3A_698 = arith.cmpf ogt, %exp3A_555, %select_n3A_690 : vector<16xf32>
      %select_n3A_699 = arith.select %gt3A_698, %exp3A_555, %select_n3A_690 : vector<16xi1>, vector<16xf32>
      %select_n3A_700 = arith.select %gt3A_697, %select_n3A_693, %select_n3A_699 : vector<16xi1>, vector<16xf32>
      %select_n3A_701 = arith.select %gt3A_698, %broadcast_in_dim3A_696, %select_n3A_692 : vector<16xi1>, vector<16xi32>
      %select_n3A_702 = arith.select %gt3A_697, %select_n3A_694, %select_n3A_701 : vector<16xi1>, vector<16xi32>
      %select_n3A_703 = arith.select %gt3A_697, %exp3A_555, %select_n3A_693 : vector<16xi1>, vector<16xf32>
      %select_n3A_704 = arith.select %gt3A_697, %broadcast_in_dim3A_696, %select_n3A_694 : vector<16xi1>, vector<16xi32>
      %broadcast_in_dim3A_705 = arith.constant 9 : i32
      %broadcast_in_dim3A_706 = vector.broadcast %broadcast_in_dim3A_705 : i32 to vector<16xi32>
      %gt3A_707 = arith.cmpf ogt, %exp3A_557, %select_n3A_703 : vector<16xf32>
      %gt3A_708 = arith.cmpf ogt, %exp3A_557, %select_n3A_700 : vector<16xf32>
      %select_n3A_709 = arith.select %gt3A_708, %exp3A_557, %select_n3A_700 : vector<16xi1>, vector<16xf32>
      %select_n3A_710 = arith.select %gt3A_707, %select_n3A_703, %select_n3A_709 : vector<16xi1>, vector<16xf32>
      %select_n3A_711 = arith.select %gt3A_708, %broadcast_in_dim3A_706, %select_n3A_702 : vector<16xi1>, vector<16xi32>
      %select_n3A_712 = arith.select %gt3A_707, %select_n3A_704, %select_n3A_711 : vector<16xi1>, vector<16xi32>
      %select_n3A_713 = arith.select %gt3A_707, %exp3A_557, %select_n3A_703 : vector<16xi1>, vector<16xf32>
      %select_n3A_714 = arith.select %gt3A_707, %broadcast_in_dim3A_706, %select_n3A_704 : vector<16xi1>, vector<16xi32>
      %broadcast_in_dim3A_715 = arith.constant 10 : i32
      %broadcast_in_dim3A_716 = vector.broadcast %broadcast_in_dim3A_715 : i32 to vector<16xi32>
      %gt3A_717 = arith.cmpf ogt, %exp3A_559, %select_n3A_713 : vector<16xf32>
      %gt3A_718 = arith.cmpf ogt, %exp3A_559, %select_n3A_710 : vector<16xf32>
      %select_n3A_719 = arith.select %gt3A_718, %exp3A_559, %select_n3A_710 : vector<16xi1>, vector<16xf32>
      %select_n3A_720 = arith.select %gt3A_717, %select_n3A_713, %select_n3A_719 : vector<16xi1>, vector<16xf32>
      %select_n3A_721 = arith.select %gt3A_718, %broadcast_in_dim3A_716, %select_n3A_712 : vector<16xi1>, vector<16xi32>
      %select_n3A_722 = arith.select %gt3A_717, %select_n3A_714, %select_n3A_721 : vector<16xi1>, vector<16xi32>
      %select_n3A_723 = arith.select %gt3A_717, %exp3A_559, %select_n3A_713 : vector<16xi1>, vector<16xf32>
      %select_n3A_724 = arith.select %gt3A_717, %broadcast_in_dim3A_716, %select_n3A_714 : vector<16xi1>, vector<16xi32>
      %broadcast_in_dim3A_725 = arith.constant 11 : i32
      %broadcast_in_dim3A_726 = vector.broadcast %broadcast_in_dim3A_725 : i32 to vector<16xi32>
      %gt3A_727 = arith.cmpf ogt, %exp3A_561, %select_n3A_723 : vector<16xf32>
      %gt3A_728 = arith.cmpf ogt, %exp3A_561, %select_n3A_720 : vector<16xf32>
      %select_n3A_729 = arith.select %gt3A_728, %exp3A_561, %select_n3A_720 : vector<16xi1>, vector<16xf32>
      %select_n3A_730 = arith.select %gt3A_727, %select_n3A_723, %select_n3A_729 : vector<16xi1>, vector<16xf32>
      %select_n3A_731 = arith.select %gt3A_728, %broadcast_in_dim3A_726, %select_n3A_722 : vector<16xi1>, vector<16xi32>
      %select_n3A_732 = arith.select %gt3A_727, %select_n3A_724, %select_n3A_731 : vector<16xi1>, vector<16xi32>
      %select_n3A_733 = arith.select %gt3A_727, %exp3A_561, %select_n3A_723 : vector<16xi1>, vector<16xf32>
      %select_n3A_734 = arith.select %gt3A_727, %broadcast_in_dim3A_726, %select_n3A_724 : vector<16xi1>, vector<16xi32>
      %broadcast_in_dim3A_735 = arith.constant 12 : i32
      %broadcast_in_dim3A_736 = vector.broadcast %broadcast_in_dim3A_735 : i32 to vector<16xi32>
      %gt3A_737 = arith.cmpf ogt, %exp3A_563, %select_n3A_733 : vector<16xf32>
      %gt3A_738 = arith.cmpf ogt, %exp3A_563, %select_n3A_730 : vector<16xf32>
      %select_n3A_739 = arith.select %gt3A_738, %exp3A_563, %select_n3A_730 : vector<16xi1>, vector<16xf32>
      %select_n3A_740 = arith.select %gt3A_737, %select_n3A_733, %select_n3A_739 : vector<16xi1>, vector<16xf32>
      %select_n3A_741 = arith.select %gt3A_738, %broadcast_in_dim3A_736, %select_n3A_732 : vector<16xi1>, vector<16xi32>
      %select_n3A_742 = arith.select %gt3A_737, %select_n3A_734, %select_n3A_741 : vector<16xi1>, vector<16xi32>
      %select_n3A_743 = arith.select %gt3A_737, %exp3A_563, %select_n3A_733 : vector<16xi1>, vector<16xf32>
      %select_n3A_744 = arith.select %gt3A_737, %broadcast_in_dim3A_736, %select_n3A_734 : vector<16xi1>, vector<16xi32>
      %broadcast_in_dim3A_745 = arith.constant 13 : i32
      %broadcast_in_dim3A_746 = vector.broadcast %broadcast_in_dim3A_745 : i32 to vector<16xi32>
      %gt3A_747 = arith.cmpf ogt, %exp3A_565, %select_n3A_743 : vector<16xf32>
      %gt3A_748 = arith.cmpf ogt, %exp3A_565, %select_n3A_740 : vector<16xf32>
      %select_n3A_749 = arith.select %gt3A_748, %exp3A_565, %select_n3A_740 : vector<16xi1>, vector<16xf32>
      %select_n3A_750 = arith.select %gt3A_747, %select_n3A_743, %select_n3A_749 : vector<16xi1>, vector<16xf32>
      %select_n3A_751 = arith.select %gt3A_748, %broadcast_in_dim3A_746, %select_n3A_742 : vector<16xi1>, vector<16xi32>
      %select_n3A_752 = arith.select %gt3A_747, %select_n3A_744, %select_n3A_751 : vector<16xi1>, vector<16xi32>
      %select_n3A_753 = arith.select %gt3A_747, %exp3A_565, %select_n3A_743 : vector<16xi1>, vector<16xf32>
      %select_n3A_754 = arith.select %gt3A_747, %broadcast_in_dim3A_746, %select_n3A_744 : vector<16xi1>, vector<16xi32>
      %broadcast_in_dim3A_755 = arith.constant 14 : i32
      %broadcast_in_dim3A_756 = vector.broadcast %broadcast_in_dim3A_755 : i32 to vector<16xi32>
      %gt3A_757 = arith.cmpf ogt, %exp3A_567, %select_n3A_753 : vector<16xf32>
      %gt3A_758 = arith.cmpf ogt, %exp3A_567, %select_n3A_750 : vector<16xf32>
      %select_n3A_759 = arith.select %gt3A_758, %exp3A_567, %select_n3A_750 : vector<16xi1>, vector<16xf32>
      %select_n3A_760 = arith.select %gt3A_757, %select_n3A_753, %select_n3A_759 : vector<16xi1>, vector<16xf32>
      %select_n3A_761 = arith.select %gt3A_758, %broadcast_in_dim3A_756, %select_n3A_752 : vector<16xi1>, vector<16xi32>
      %select_n3A_762 = arith.select %gt3A_757, %select_n3A_754, %select_n3A_761 : vector<16xi1>, vector<16xi32>
      %select_n3A_763 = arith.select %gt3A_757, %exp3A_567, %select_n3A_753 : vector<16xi1>, vector<16xf32>
      %select_n3A_764 = arith.select %gt3A_757, %broadcast_in_dim3A_756, %select_n3A_754 : vector<16xi1>, vector<16xi32>
      %broadcast_in_dim3A_765 = arith.constant 15 : i32
      %broadcast_in_dim3A_766 = vector.broadcast %broadcast_in_dim3A_765 : i32 to vector<16xi32>
      %gt3A_767 = arith.cmpf ogt, %exp3A_569, %select_n3A_763 : vector<16xf32>
      %gt3A_768 = arith.cmpf ogt, %exp3A_569, %select_n3A_760 : vector<16xf32>
      %select_n3A_769 = arith.select %gt3A_768, %exp3A_569, %select_n3A_760 : vector<16xi1>, vector<16xf32>
      %select_n3A_770 = arith.select %gt3A_767, %select_n3A_763, %select_n3A_769 : vector<16xi1>, vector<16xf32>
      %select_n3A_771 = arith.select %gt3A_768, %broadcast_in_dim3A_766, %select_n3A_762 : vector<16xi1>, vector<16xi32>
      %select_n3A_772 = arith.select %gt3A_767, %select_n3A_764, %select_n3A_771 : vector<16xi1>, vector<16xi32>
      %select_n3A_773 = arith.select %gt3A_767, %exp3A_569, %select_n3A_763 : vector<16xi1>, vector<16xf32>
      %select_n3A_774 = arith.select %gt3A_767, %broadcast_in_dim3A_766, %select_n3A_764 : vector<16xi1>, vector<16xi32>
      %add3A_775 = arith.addf %select_n3A_773, %select_n3A_770 : vector<16xf32>
      %div3A_776 = arith.constant 1.000000e+00 : f32
      %div3A_777 = vector.broadcast %div3A_776 : f32 to vector<16xf32>
      %div3A_778 = arith.divf %div3A_777, %add3A_775 : vector<16xf32>
      %mul3A_779 = arith.mulf %select_n3A_773, %div3A_778 : vector<16xf32>
      %mul3A_780 = arith.mulf %select_n3A_770, %div3A_778 : vector<16xf32>
      %eq3A_781 = arith.constant 0 : i32
      %eq3A_782 = vector.broadcast %eq3A_781 : i32 to vector<16xi32>
      %eq3A_783 = arith.cmpi eq, %select_n3A_774, %eq3A_782 : vector<16xi32>
      %jit3A_784 = arith.constant 1.000000e+00 : f32
      %jit3A_785 = arith.constant 0.000000e+00 : f32
      %broadcast_in_dim3A_786 = vector.broadcast %jit3A_784 : f32 to vector<16xf32>
      %broadcast_in_dim3A_787 = vector.broadcast %jit3A_785 : f32 to vector<16xf32>
      %select_n3A_788 = arith.select %eq3A_783, %broadcast_in_dim3A_786, %broadcast_in_dim3A_787 : vector<16xi1>, vector<16xf32>
      %add3A_789 = arith.addf %scan3A_379, %select_n3A_788 : vector<16xf32>
      %eq3A_790 = arith.constant 1 : i32
      %eq3A_791 = vector.broadcast %eq3A_790 : i32 to vector<16xi32>
      %eq3A_792 = arith.cmpi eq, %select_n3A_774, %eq3A_791 : vector<16xi32>
      %jit3A_793 = arith.constant 1.000000e+00 : f32
      %jit3A_794 = arith.constant 0.000000e+00 : f32
      %broadcast_in_dim3A_795 = vector.broadcast %jit3A_793 : f32 to vector<16xf32>
      %broadcast_in_dim3A_796 = vector.broadcast %jit3A_794 : f32 to vector<16xf32>
      %select_n3A_797 = arith.select %eq3A_792, %broadcast_in_dim3A_795, %broadcast_in_dim3A_796 : vector<16xi1>, vector<16xf32>
      %add3A_798 = arith.addf %scan3A_380, %select_n3A_797 : vector<16xf32>
      %eq3A_799 = arith.constant 2 : i32
      %eq3A_800 = vector.broadcast %eq3A_799 : i32 to vector<16xi32>
      %eq3A_801 = arith.cmpi eq, %select_n3A_774, %eq3A_800 : vector<16xi32>
      %jit3A_802 = arith.constant 1.000000e+00 : f32
      %jit3A_803 = arith.constant 0.000000e+00 : f32
      %broadcast_in_dim3A_804 = vector.broadcast %jit3A_802 : f32 to vector<16xf32>
      %broadcast_in_dim3A_805 = vector.broadcast %jit3A_803 : f32 to vector<16xf32>
      %select_n3A_806 = arith.select %eq3A_801, %broadcast_in_dim3A_804, %broadcast_in_dim3A_805 : vector<16xi1>, vector<16xf32>
      %add3A_807 = arith.addf %scan3A_381, %select_n3A_806 : vector<16xf32>
      %eq3A_808 = arith.constant 3 : i32
      %eq3A_809 = vector.broadcast %eq3A_808 : i32 to vector<16xi32>
      %eq3A_810 = arith.cmpi eq, %select_n3A_774, %eq3A_809 : vector<16xi32>
      %jit3A_811 = arith.constant 1.000000e+00 : f32
      %jit3A_812 = arith.constant 0.000000e+00 : f32
      %broadcast_in_dim3A_813 = vector.broadcast %jit3A_811 : f32 to vector<16xf32>
      %broadcast_in_dim3A_814 = vector.broadcast %jit3A_812 : f32 to vector<16xf32>
      %select_n3A_815 = arith.select %eq3A_810, %broadcast_in_dim3A_813, %broadcast_in_dim3A_814 : vector<16xi1>, vector<16xf32>
      %add3A_816 = arith.addf %scan3A_382, %select_n3A_815 : vector<16xf32>
      %eq3A_817 = arith.constant 4 : i32
      %eq3A_818 = vector.broadcast %eq3A_817 : i32 to vector<16xi32>
      %eq3A_819 = arith.cmpi eq, %select_n3A_774, %eq3A_818 : vector<16xi32>
      %jit3A_820 = arith.constant 1.000000e+00 : f32
      %jit3A_821 = arith.constant 0.000000e+00 : f32
      %broadcast_in_dim3A_822 = vector.broadcast %jit3A_820 : f32 to vector<16xf32>
      %broadcast_in_dim3A_823 = vector.broadcast %jit3A_821 : f32 to vector<16xf32>
      %select_n3A_824 = arith.select %eq3A_819, %broadcast_in_dim3A_822, %broadcast_in_dim3A_823 : vector<16xi1>, vector<16xf32>
      %add3A_825 = arith.addf %scan3A_383, %select_n3A_824 : vector<16xf32>
      %eq3A_826 = arith.constant 5 : i32
      %eq3A_827 = vector.broadcast %eq3A_826 : i32 to vector<16xi32>
      %eq3A_828 = arith.cmpi eq, %select_n3A_774, %eq3A_827 : vector<16xi32>
      %jit3A_829 = arith.constant 1.000000e+00 : f32
      %jit3A_830 = arith.constant 0.000000e+00 : f32
      %broadcast_in_dim3A_831 = vector.broadcast %jit3A_829 : f32 to vector<16xf32>
      %broadcast_in_dim3A_832 = vector.broadcast %jit3A_830 : f32 to vector<16xf32>
      %select_n3A_833 = arith.select %eq3A_828, %broadcast_in_dim3A_831, %broadcast_in_dim3A_832 : vector<16xi1>, vector<16xf32>
      %add3A_834 = arith.addf %scan3A_384, %select_n3A_833 : vector<16xf32>
      %eq3A_835 = arith.constant 6 : i32
      %eq3A_836 = vector.broadcast %eq3A_835 : i32 to vector<16xi32>
      %eq3A_837 = arith.cmpi eq, %select_n3A_774, %eq3A_836 : vector<16xi32>
      %jit3A_838 = arith.constant 1.000000e+00 : f32
      %jit3A_839 = arith.constant 0.000000e+00 : f32
      %broadcast_in_dim3A_840 = vector.broadcast %jit3A_838 : f32 to vector<16xf32>
      %broadcast_in_dim3A_841 = vector.broadcast %jit3A_839 : f32 to vector<16xf32>
      %select_n3A_842 = arith.select %eq3A_837, %broadcast_in_dim3A_840, %broadcast_in_dim3A_841 : vector<16xi1>, vector<16xf32>
      %add3A_843 = arith.addf %scan3A_385, %select_n3A_842 : vector<16xf32>
      %eq3A_844 = arith.constant 7 : i32
      %eq3A_845 = vector.broadcast %eq3A_844 : i32 to vector<16xi32>
      %eq3A_846 = arith.cmpi eq, %select_n3A_774, %eq3A_845 : vector<16xi32>
      %jit3A_847 = arith.constant 1.000000e+00 : f32
      %jit3A_848 = arith.constant 0.000000e+00 : f32
      %broadcast_in_dim3A_849 = vector.broadcast %jit3A_847 : f32 to vector<16xf32>
      %broadcast_in_dim3A_850 = vector.broadcast %jit3A_848 : f32 to vector<16xf32>
      %select_n3A_851 = arith.select %eq3A_846, %broadcast_in_dim3A_849, %broadcast_in_dim3A_850 : vector<16xi1>, vector<16xf32>
      %add3A_852 = arith.addf %scan3A_386, %select_n3A_851 : vector<16xf32>
      %eq3A_853 = arith.constant 8 : i32
      %eq3A_854 = vector.broadcast %eq3A_853 : i32 to vector<16xi32>
      %eq3A_855 = arith.cmpi eq, %select_n3A_774, %eq3A_854 : vector<16xi32>
      %jit3A_856 = arith.constant 1.000000e+00 : f32
      %jit3A_857 = arith.constant 0.000000e+00 : f32
      %broadcast_in_dim3A_858 = vector.broadcast %jit3A_856 : f32 to vector<16xf32>
      %broadcast_in_dim3A_859 = vector.broadcast %jit3A_857 : f32 to vector<16xf32>
      %select_n3A_860 = arith.select %eq3A_855, %broadcast_in_dim3A_858, %broadcast_in_dim3A_859 : vector<16xi1>, vector<16xf32>
      %add3A_861 = arith.addf %scan3A_387, %select_n3A_860 : vector<16xf32>
      %eq3A_862 = arith.constant 9 : i32
      %eq3A_863 = vector.broadcast %eq3A_862 : i32 to vector<16xi32>
      %eq3A_864 = arith.cmpi eq, %select_n3A_774, %eq3A_863 : vector<16xi32>
      %jit3A_865 = arith.constant 1.000000e+00 : f32
      %jit3A_866 = arith.constant 0.000000e+00 : f32
      %broadcast_in_dim3A_867 = vector.broadcast %jit3A_865 : f32 to vector<16xf32>
      %broadcast_in_dim3A_868 = vector.broadcast %jit3A_866 : f32 to vector<16xf32>
      %select_n3A_869 = arith.select %eq3A_864, %broadcast_in_dim3A_867, %broadcast_in_dim3A_868 : vector<16xi1>, vector<16xf32>
      %add3A_870 = arith.addf %scan3A_388, %select_n3A_869 : vector<16xf32>
      %eq3A_871 = arith.constant 10 : i32
      %eq3A_872 = vector.broadcast %eq3A_871 : i32 to vector<16xi32>
      %eq3A_873 = arith.cmpi eq, %select_n3A_774, %eq3A_872 : vector<16xi32>
      %jit3A_874 = arith.constant 1.000000e+00 : f32
      %jit3A_875 = arith.constant 0.000000e+00 : f32
      %broadcast_in_dim3A_876 = vector.broadcast %jit3A_874 : f32 to vector<16xf32>
      %broadcast_in_dim3A_877 = vector.broadcast %jit3A_875 : f32 to vector<16xf32>
      %select_n3A_878 = arith.select %eq3A_873, %broadcast_in_dim3A_876, %broadcast_in_dim3A_877 : vector<16xi1>, vector<16xf32>
      %add3A_879 = arith.addf %scan3A_389, %select_n3A_878 : vector<16xf32>
      %eq3A_880 = arith.constant 11 : i32
      %eq3A_881 = vector.broadcast %eq3A_880 : i32 to vector<16xi32>
      %eq3A_882 = arith.cmpi eq, %select_n3A_774, %eq3A_881 : vector<16xi32>
      %jit3A_883 = arith.constant 1.000000e+00 : f32
      %jit3A_884 = arith.constant 0.000000e+00 : f32
      %broadcast_in_dim3A_885 = vector.broadcast %jit3A_883 : f32 to vector<16xf32>
      %broadcast_in_dim3A_886 = vector.broadcast %jit3A_884 : f32 to vector<16xf32>
      %select_n3A_887 = arith.select %eq3A_882, %broadcast_in_dim3A_885, %broadcast_in_dim3A_886 : vector<16xi1>, vector<16xf32>
      %add3A_888 = arith.addf %scan3A_390, %select_n3A_887 : vector<16xf32>
      %eq3A_889 = arith.constant 12 : i32
      %eq3A_890 = vector.broadcast %eq3A_889 : i32 to vector<16xi32>
      %eq3A_891 = arith.cmpi eq, %select_n3A_774, %eq3A_890 : vector<16xi32>
      %jit3A_892 = arith.constant 1.000000e+00 : f32
      %jit3A_893 = arith.constant 0.000000e+00 : f32
      %broadcast_in_dim3A_894 = vector.broadcast %jit3A_892 : f32 to vector<16xf32>
      %broadcast_in_dim3A_895 = vector.broadcast %jit3A_893 : f32 to vector<16xf32>
      %select_n3A_896 = arith.select %eq3A_891, %broadcast_in_dim3A_894, %broadcast_in_dim3A_895 : vector<16xi1>, vector<16xf32>
      %add3A_897 = arith.addf %scan3A_391, %select_n3A_896 : vector<16xf32>
      %eq3A_898 = arith.constant 13 : i32
      %eq3A_899 = vector.broadcast %eq3A_898 : i32 to vector<16xi32>
      %eq3A_900 = arith.cmpi eq, %select_n3A_774, %eq3A_899 : vector<16xi32>
      %jit3A_901 = arith.constant 1.000000e+00 : f32
      %jit3A_902 = arith.constant 0.000000e+00 : f32
      %broadcast_in_dim3A_903 = vector.broadcast %jit3A_901 : f32 to vector<16xf32>
      %broadcast_in_dim3A_904 = vector.broadcast %jit3A_902 : f32 to vector<16xf32>
      %select_n3A_905 = arith.select %eq3A_900, %broadcast_in_dim3A_903, %broadcast_in_dim3A_904 : vector<16xi1>, vector<16xf32>
      %add3A_906 = arith.addf %scan3A_392, %select_n3A_905 : vector<16xf32>
      %eq3A_907 = arith.constant 14 : i32
      %eq3A_908 = vector.broadcast %eq3A_907 : i32 to vector<16xi32>
      %eq3A_909 = arith.cmpi eq, %select_n3A_774, %eq3A_908 : vector<16xi32>
      %jit3A_910 = arith.constant 1.000000e+00 : f32
      %jit3A_911 = arith.constant 0.000000e+00 : f32
      %broadcast_in_dim3A_912 = vector.broadcast %jit3A_910 : f32 to vector<16xf32>
      %broadcast_in_dim3A_913 = vector.broadcast %jit3A_911 : f32 to vector<16xf32>
      %select_n3A_914 = arith.select %eq3A_909, %broadcast_in_dim3A_912, %broadcast_in_dim3A_913 : vector<16xi1>, vector<16xf32>
      %add3A_915 = arith.addf %scan3A_393, %select_n3A_914 : vector<16xf32>
      %eq3A_916 = arith.constant 15 : i32
      %eq3A_917 = vector.broadcast %eq3A_916 : i32 to vector<16xi32>
      %eq3A_918 = arith.cmpi eq, %select_n3A_774, %eq3A_917 : vector<16xi32>
      %jit3A_919 = arith.constant 1.000000e+00 : f32
      %jit3A_920 = arith.constant 0.000000e+00 : f32
      %broadcast_in_dim3A_921 = vector.broadcast %jit3A_919 : f32 to vector<16xf32>
      %broadcast_in_dim3A_922 = vector.broadcast %jit3A_920 : f32 to vector<16xf32>
      %select_n3A_923 = arith.select %eq3A_918, %broadcast_in_dim3A_921, %broadcast_in_dim3A_922 : vector<16xi1>, vector<16xf32>
      %add3A_924 = arith.addf %scan3A_394, %select_n3A_923 : vector<16xf32>
      %mul3A_925 = arith.constant 16 : i32
      %mul3A_926 = arith.muli %scan3A_362, %mul3A_925 : i32
      %swap3A_927 = arith.index_cast %mul3A_926 : i32 to index
      %swap3A_928 = tpu.vector_load %arg10[%swap3A_927] {strides = array<i32>} : memref<512xi32, #tpu.memory_space<vmem>>, vector<16xi32>,
      tpu.vector_store %arg10[%swap3A_927], %select_n3A_774 {strides = array<i32>} : memref<512xi32, #tpu.memory_space<vmem>>, vector<16xi32>,
      %mul3A_929 = arith.constant 16 : i32
      %mul3A_930 = arith.muli %scan3A_362, %mul3A_929 : i32
      %swap3A_931 = arith.index_cast %mul3A_930 : i32 to index
      %swap3A_932 = tpu.vector_load %arg11[%swap3A_931] {strides = array<i32>} : memref<512xi32, #tpu.memory_space<vmem>>, vector<16xi32>,
      tpu.vector_store %arg11[%swap3A_931], %select_n3A_772 {strides = array<i32>} : memref<512xi32, #tpu.memory_space<vmem>>, vector<16xi32>,
      %mul3A_933 = arith.constant 16 : i32
      %mul3A_934 = arith.muli %scan3A_362, %mul3A_933 : i32
      %swap3A_935 = arith.index_cast %mul3A_934 : i32 to index
      %swap3A_936 = tpu.vector_load %arg12[%swap3A_935] {strides = array<i32>} : memref<512xf32, #tpu.memory_space<vmem>>, vector<16xf32>,
      tpu.vector_store %arg12[%swap3A_935], %mul3A_779 {strides = array<i32>} : memref<512xf32, #tpu.memory_space<vmem>>, vector<16xf32>,
      %mul3A_937 = arith.constant 16 : i32
      %mul3A_938 = arith.muli %scan3A_362, %mul3A_937 : i32
      %swap3A_939 = arith.index_cast %mul3A_938 : i32 to index
      %swap3A_940 = tpu.vector_load %arg13[%swap3A_939] {strides = array<i32>} : memref<512xf32, #tpu.memory_space<vmem>>, vector<16xf32>,
      tpu.vector_store %arg13[%swap3A_939], %mul3A_780 {strides = array<i32>} : memref<512xf32, #tpu.memory_space<vmem>>, vector<16xf32>,
      scf.yield %add3A_589, %add3A_591, %add3A_593, %add3A_595, %add3A_597, %add3A_599, %add3A_601, %add3A_603, %add3A_605, %add3A_607, %add3A_609, %add3A_611, %add3A_613, %add3A_615, %add3A_617, %add3A_619, %add3A_789, %add3A_798, %add3A_807, %add3A_816, %add3A_825, %add3A_834, %add3A_843, %add3A_852, %add3A_861, %add3A_870, %add3A_879, %add3A_888, %add3A_897, %add3A_906, %add3A_915, %add3A_924 : vector<16xf32>, vector<16xf32>, vector<16xf32>, vector<16xf32>, vector<16xf32>, vector<16xf32>, vector<16xf32>, vector<16xf32>, vector<16xf32>, vector<16xf32>, vector<16xf32>, vector<16xf32>, vector<16xf32>, vector<16xf32>, vector<16xf32>, vector<16xf32>, vector<16xf32>, vector<16xf32>, vector<16xf32>, vector<16xf32>, vector<16xf32>, vector<16xf32>, vector<16xf32>, vector<16xf32>, vector<16xf32>, vector<16xf32>, vector<16xf32>, vector<16xf32>, vector<16xf32>, vector<16xf32>, vector<16xf32>, vector<16xf32>
    }
    %scan3A_152 = arith.constant 32 : i32
    %broadcast_in_dim3A_153 = arith.constant true
    %broadcast_in_dim3A_154 = vector.broadcast %broadcast_in_dim3A_153 : i1 to vector<16xi1>
    %masked_cumsum3A = tpu.scan <sum>, %scan3A_151#0 masked %broadcast_in_dim3A_154 : vector<16xf32>, vector<16xi1> -> vector<16xf32>
    %swap3A = arith.constant 0 : index
    %swap3A_155 = tpu.vector_load %arg14[%swap3A] {strides = array<i32>} : memref<256xf32, #tpu.memory_space<vmem>>, vector<16xf32>,
    tpu.vector_store %arg14[%swap3A], %masked_cumsum3A {strides = array<i32>} : memref<256xf32, #tpu.memory_space<vmem>>, vector<16xf32>,
    %broadcast_in_dim3A_156 = arith.constant true
    %broadcast_in_dim3A_157 = vector.broadcast %broadcast_in_dim3A_156 : i1 to vector<16xi1>
    %masked_cumsum3A_158 = tpu.scan <sum>, %scan3A_151#16 masked %broadcast_in_dim3A_157 : vector<16xf32>, vector<16xi1> -> vector<16xf32>
    %swap3A_159 = arith.constant 0 : index
    %swap3A_160 = tpu.vector_load %arg15[%swap3A_159] {strides = array<i32>} : memref<256xf32, #tpu.memory_space<vmem>>, vector<16xf32>,
    tpu.vector_store %arg15[%swap3A_159], %masked_cumsum3A_158 {strides = array<i32>} : memref<256xf32, #tpu.memory_space<vmem>>, vector<16xf32>,
    %broadcast_in_dim3A_161 = arith.constant true
    %broadcast_in_dim3A_162 = vector.broadcast %broadcast_in_dim3A_161 : i1 to vector<16xi1>
    %masked_cumsum3A_163 = tpu.scan <sum>, %scan3A_151#1 masked %broadcast_in_dim3A_162 : vector<16xf32>, vector<16xi1> -> vector<16xf32>
    %swap3A_164 = arith.constant 16 : index
    %swap3A_165 = tpu.vector_load %arg14[%swap3A_164] {strides = array<i32>} : memref<256xf32, #tpu.memory_space<vmem>>, vector<16xf32>,
    tpu.vector_store %arg14[%swap3A_164], %masked_cumsum3A_163 {strides = array<i32>} : memref<256xf32, #tpu.memory_space<vmem>>, vector<16xf32>,
    %broadcast_in_dim3A_166 = arith.constant true
    %broadcast_in_dim3A_167 = vector.broadcast %broadcast_in_dim3A_166 : i1 to vector<16xi1>
    %masked_cumsum3A_168 = tpu.scan <sum>, %scan3A_151#17 masked %broadcast_in_dim3A_167 : vector<16xf32>, vector<16xi1> -> vector<16xf32>
    %swap3A_169 = arith.constant 16 : index
    %swap3A_170 = tpu.vector_load %arg15[%swap3A_169] {strides = array<i32>} : memref<256xf32, #tpu.memory_space<vmem>>, vector<16xf32>,
    tpu.vector_store %arg15[%swap3A_169], %masked_cumsum3A_168 {strides = array<i32>} : memref<256xf32, #tpu.memory_space<vmem>>, vector<16xf32>,
    %broadcast_in_dim3A_171 = arith.constant true
    %broadcast_in_dim3A_172 = vector.broadcast %broadcast_in_dim3A_171 : i1 to vector<16xi1>
    %masked_cumsum3A_173 = tpu.scan <sum>, %scan3A_151#2 masked %broadcast_in_dim3A_172 : vector<16xf32>, vector<16xi1> -> vector<16xf32>
    %swap3A_174 = arith.constant 32 : index
    %swap3A_175 = tpu.vector_load %arg14[%swap3A_174] {strides = array<i32>} : memref<256xf32, #tpu.memory_space<vmem>>, vector<16xf32>,
    tpu.vector_store %arg14[%swap3A_174], %masked_cumsum3A_173 {strides = array<i32>} : memref<256xf32, #tpu.memory_space<vmem>>, vector<16xf32>,
    %broadcast_in_dim3A_176 = arith.constant true
    %broadcast_in_dim3A_177 = vector.broadcast %broadcast_in_dim3A_176 : i1 to vector<16xi1>
    %masked_cumsum3A_178 = tpu.scan <sum>, %scan3A_151#18 masked %broadcast_in_dim3A_177 : vector<16xf32>, vector<16xi1> -> vector<16xf32>
    %swap3A_179 = arith.constant 32 : index
    %swap3A_180 = tpu.vector_load %arg15[%swap3A_179] {strides = array<i32>} : memref<256xf32, #tpu.memory_space<vmem>>, vector<16xf32>,
    tpu.vector_store %arg15[%swap3A_179], %masked_cumsum3A_178 {strides = array<i32>} : memref<256xf32, #tpu.memory_space<vmem>>, vector<16xf32>,
    %broadcast_in_dim3A_181 = arith.constant true
    %broadcast_in_dim3A_182 = vector.broadcast %broadcast_in_dim3A_181 : i1 to vector<16xi1>
    %masked_cumsum3A_183 = tpu.scan <sum>, %scan3A_151#3 masked %broadcast_in_dim3A_182 : vector<16xf32>, vector<16xi1> -> vector<16xf32>
    %swap3A_184 = arith.constant 48 : index
    %swap3A_185 = tpu.vector_load %arg14[%swap3A_184] {strides = array<i32>} : memref<256xf32, #tpu.memory_space<vmem>>, vector<16xf32>,
    tpu.vector_store %arg14[%swap3A_184], %masked_cumsum3A_183 {strides = array<i32>} : memref<256xf32, #tpu.memory_space<vmem>>, vector<16xf32>,
    %broadcast_in_dim3A_186 = arith.constant true
    %broadcast_in_dim3A_187 = vector.broadcast %broadcast_in_dim3A_186 : i1 to vector<16xi1>
    %masked_cumsum3A_188 = tpu.scan <sum>, %scan3A_151#19 masked %broadcast_in_dim3A_187 : vector<16xf32>, vector<16xi1> -> vector<16xf32>
    %swap3A_189 = arith.constant 48 : index
    %swap3A_190 = tpu.vector_load %arg15[%swap3A_189] {strides = array<i32>} : memref<256xf32, #tpu.memory_space<vmem>>, vector<16xf32>,
    tpu.vector_store %arg15[%swap3A_189], %masked_cumsum3A_188 {strides = array<i32>} : memref<256xf32, #tpu.memory_space<vmem>>, vector<16xf32>,
    %broadcast_in_dim3A_191 = arith.constant true
    %broadcast_in_dim3A_192 = vector.broadcast %broadcast_in_dim3A_191 : i1 to vector<16xi1>
    %masked_cumsum3A_193 = tpu.scan <sum>, %scan3A_151#4 masked %broadcast_in_dim3A_192 : vector<16xf32>, vector<16xi1> -> vector<16xf32>
    %swap3A_194 = arith.constant 64 : index
    %swap3A_195 = tpu.vector_load %arg14[%swap3A_194] {strides = array<i32>} : memref<256xf32, #tpu.memory_space<vmem>>, vector<16xf32>,
    tpu.vector_store %arg14[%swap3A_194], %masked_cumsum3A_193 {strides = array<i32>} : memref<256xf32, #tpu.memory_space<vmem>>, vector<16xf32>,
    %broadcast_in_dim3A_196 = arith.constant true
    %broadcast_in_dim3A_197 = vector.broadcast %broadcast_in_dim3A_196 : i1 to vector<16xi1>
    %masked_cumsum3A_198 = tpu.scan <sum>, %scan3A_151#20 masked %broadcast_in_dim3A_197 : vector<16xf32>, vector<16xi1> -> vector<16xf32>
    %swap3A_199 = arith.constant 64 : index
    %swap3A_200 = tpu.vector_load %arg15[%swap3A_199] {strides = array<i32>} : memref<256xf32, #tpu.memory_space<vmem>>, vector<16xf32>,
    tpu.vector_store %arg15[%swap3A_199], %masked_cumsum3A_198 {strides = array<i32>} : memref<256xf32, #tpu.memory_space<vmem>>, vector<16xf32>,
    %broadcast_in_dim3A_201 = arith.constant true
    %broadcast_in_dim3A_202 = vector.broadcast %broadcast_in_dim3A_201 : i1 to vector<16xi1>
    %masked_cumsum3A_203 = tpu.scan <sum>, %scan3A_151#5 masked %broadcast_in_dim3A_202 : vector<16xf32>, vector<16xi1> -> vector<16xf32>
    %swap3A_204 = arith.constant 80 : index
    %swap3A_205 = tpu.vector_load %arg14[%swap3A_204] {strides = array<i32>} : memref<256xf32, #tpu.memory_space<vmem>>, vector<16xf32>,
    tpu.vector_store %arg14[%swap3A_204], %masked_cumsum3A_203 {strides = array<i32>} : memref<256xf32, #tpu.memory_space<vmem>>, vector<16xf32>,
    %broadcast_in_dim3A_206 = arith.constant true
    %broadcast_in_dim3A_207 = vector.broadcast %broadcast_in_dim3A_206 : i1 to vector<16xi1>
    %masked_cumsum3A_208 = tpu.scan <sum>, %scan3A_151#21 masked %broadcast_in_dim3A_207 : vector<16xf32>, vector<16xi1> -> vector<16xf32>
    %swap3A_209 = arith.constant 80 : index
    %swap3A_210 = tpu.vector_load %arg15[%swap3A_209] {strides = array<i32>} : memref<256xf32, #tpu.memory_space<vmem>>, vector<16xf32>,
    tpu.vector_store %arg15[%swap3A_209], %masked_cumsum3A_208 {strides = array<i32>} : memref<256xf32, #tpu.memory_space<vmem>>, vector<16xf32>,
    %broadcast_in_dim3A_211 = arith.constant true
    %broadcast_in_dim3A_212 = vector.broadcast %broadcast_in_dim3A_211 : i1 to vector<16xi1>
    %masked_cumsum3A_213 = tpu.scan <sum>, %scan3A_151#6 masked %broadcast_in_dim3A_212 : vector<16xf32>, vector<16xi1> -> vector<16xf32>
    %swap3A_214 = arith.constant 96 : index
    %swap3A_215 = tpu.vector_load %arg14[%swap3A_214] {strides = array<i32>} : memref<256xf32, #tpu.memory_space<vmem>>, vector<16xf32>,
    tpu.vector_store %arg14[%swap3A_214], %masked_cumsum3A_213 {strides = array<i32>} : memref<256xf32, #tpu.memory_space<vmem>>, vector<16xf32>,
    %broadcast_in_dim3A_216 = arith.constant true
    %broadcast_in_dim3A_217 = vector.broadcast %broadcast_in_dim3A_216 : i1 to vector<16xi1>
    %masked_cumsum3A_218 = tpu.scan <sum>, %scan3A_151#22 masked %broadcast_in_dim3A_217 : vector<16xf32>, vector<16xi1> -> vector<16xf32>
    %swap3A_219 = arith.constant 96 : index
    %swap3A_220 = tpu.vector_load %arg15[%swap3A_219] {strides = array<i32>} : memref<256xf32, #tpu.memory_space<vmem>>, vector<16xf32>,
    tpu.vector_store %arg15[%swap3A_219], %masked_cumsum3A_218 {strides = array<i32>} : memref<256xf32, #tpu.memory_space<vmem>>, vector<16xf32>,
    %broadcast_in_dim3A_221 = arith.constant true
    %broadcast_in_dim3A_222 = vector.broadcast %broadcast_in_dim3A_221 : i1 to vector<16xi1>
    %masked_cumsum3A_223 = tpu.scan <sum>, %scan3A_151#7 masked %broadcast_in_dim3A_222 : vector<16xf32>, vector<16xi1> -> vector<16xf32>
    %swap3A_224 = arith.constant 112 : index
    %swap3A_225 = tpu.vector_load %arg14[%swap3A_224] {strides = array<i32>} : memref<256xf32, #tpu.memory_space<vmem>>, vector<16xf32>,
    tpu.vector_store %arg14[%swap3A_224], %masked_cumsum3A_223 {strides = array<i32>} : memref<256xf32, #tpu.memory_space<vmem>>, vector<16xf32>,
    %broadcast_in_dim3A_226 = arith.constant true
    %broadcast_in_dim3A_227 = vector.broadcast %broadcast_in_dim3A_226 : i1 to vector<16xi1>
    %masked_cumsum3A_228 = tpu.scan <sum>, %scan3A_151#23 masked %broadcast_in_dim3A_227 : vector<16xf32>, vector<16xi1> -> vector<16xf32>
    %swap3A_229 = arith.constant 112 : index
    %swap3A_230 = tpu.vector_load %arg15[%swap3A_229] {strides = array<i32>} : memref<256xf32, #tpu.memory_space<vmem>>, vector<16xf32>,
    tpu.vector_store %arg15[%swap3A_229], %masked_cumsum3A_228 {strides = array<i32>} : memref<256xf32, #tpu.memory_space<vmem>>, vector<16xf32>,
    %broadcast_in_dim3A_231 = arith.constant true
    %broadcast_in_dim3A_232 = vector.broadcast %broadcast_in_dim3A_231 : i1 to vector<16xi1>
    %masked_cumsum3A_233 = tpu.scan <sum>, %scan3A_151#8 masked %broadcast_in_dim3A_232 : vector<16xf32>, vector<16xi1> -> vector<16xf32>
    %swap3A_234 = arith.constant 128 : index
    %swap3A_235 = tpu.vector_load %arg14[%swap3A_234] {strides = array<i32>} : memref<256xf32, #tpu.memory_space<vmem>>, vector<16xf32>,
    tpu.vector_store %arg14[%swap3A_234], %masked_cumsum3A_233 {strides = array<i32>} : memref<256xf32, #tpu.memory_space<vmem>>, vector<16xf32>,
    %broadcast_in_dim3A_236 = arith.constant true
    %broadcast_in_dim3A_237 = vector.broadcast %broadcast_in_dim3A_236 : i1 to vector<16xi1>
    %masked_cumsum3A_238 = tpu.scan <sum>, %scan3A_151#24 masked %broadcast_in_dim3A_237 : vector<16xf32>, vector<16xi1> -> vector<16xf32>
    %swap3A_239 = arith.constant 128 : index
    %swap3A_240 = tpu.vector_load %arg15[%swap3A_239] {strides = array<i32>} : memref<256xf32, #tpu.memory_space<vmem>>, vector<16xf32>,
    tpu.vector_store %arg15[%swap3A_239], %masked_cumsum3A_238 {strides = array<i32>} : memref<256xf32, #tpu.memory_space<vmem>>, vector<16xf32>,
    %broadcast_in_dim3A_241 = arith.constant true
    %broadcast_in_dim3A_242 = vector.broadcast %broadcast_in_dim3A_241 : i1 to vector<16xi1>
    %masked_cumsum3A_243 = tpu.scan <sum>, %scan3A_151#9 masked %broadcast_in_dim3A_242 : vector<16xf32>, vector<16xi1> -> vector<16xf32>
    %swap3A_244 = arith.constant 144 : index
    %swap3A_245 = tpu.vector_load %arg14[%swap3A_244] {strides = array<i32>} : memref<256xf32, #tpu.memory_space<vmem>>, vector<16xf32>,
    tpu.vector_store %arg14[%swap3A_244], %masked_cumsum3A_243 {strides = array<i32>} : memref<256xf32, #tpu.memory_space<vmem>>, vector<16xf32>,
    %broadcast_in_dim3A_246 = arith.constant true
    %broadcast_in_dim3A_247 = vector.broadcast %broadcast_in_dim3A_246 : i1 to vector<16xi1>
    %masked_cumsum3A_248 = tpu.scan <sum>, %scan3A_151#25 masked %broadcast_in_dim3A_247 : vector<16xf32>, vector<16xi1> -> vector<16xf32>
    %swap3A_249 = arith.constant 144 : index
    %swap3A_250 = tpu.vector_load %arg15[%swap3A_249] {strides = array<i32>} : memref<256xf32, #tpu.memory_space<vmem>>, vector<16xf32>,
    tpu.vector_store %arg15[%swap3A_249], %masked_cumsum3A_248 {strides = array<i32>} : memref<256xf32, #tpu.memory_space<vmem>>, vector<16xf32>,
    %broadcast_in_dim3A_251 = arith.constant true
    %broadcast_in_dim3A_252 = vector.broadcast %broadcast_in_dim3A_251 : i1 to vector<16xi1>
    %masked_cumsum3A_253 = tpu.scan <sum>, %scan3A_151#10 masked %broadcast_in_dim3A_252 : vector<16xf32>, vector<16xi1> -> vector<16xf32>
    %swap3A_254 = arith.constant 160 : index
    %swap3A_255 = tpu.vector_load %arg14[%swap3A_254] {strides = array<i32>} : memref<256xf32, #tpu.memory_space<vmem>>, vector<16xf32>,
    tpu.vector_store %arg14[%swap3A_254], %masked_cumsum3A_253 {strides = array<i32>} : memref<256xf32, #tpu.memory_space<vmem>>, vector<16xf32>,
    %broadcast_in_dim3A_256 = arith.constant true
    %broadcast_in_dim3A_257 = vector.broadcast %broadcast_in_dim3A_256 : i1 to vector<16xi1>
    %masked_cumsum3A_258 = tpu.scan <sum>, %scan3A_151#26 masked %broadcast_in_dim3A_257 : vector<16xf32>, vector<16xi1> -> vector<16xf32>
    %swap3A_259 = arith.constant 160 : index
    %swap3A_260 = tpu.vector_load %arg15[%swap3A_259] {strides = array<i32>} : memref<256xf32, #tpu.memory_space<vmem>>, vector<16xf32>,
    tpu.vector_store %arg15[%swap3A_259], %masked_cumsum3A_258 {strides = array<i32>} : memref<256xf32, #tpu.memory_space<vmem>>, vector<16xf32>,
    %broadcast_in_dim3A_261 = arith.constant true
    %broadcast_in_dim3A_262 = vector.broadcast %broadcast_in_dim3A_261 : i1 to vector<16xi1>
    %masked_cumsum3A_263 = tpu.scan <sum>, %scan3A_151#11 masked %broadcast_in_dim3A_262 : vector<16xf32>, vector<16xi1> -> vector<16xf32>
    %swap3A_264 = arith.constant 176 : index
    %swap3A_265 = tpu.vector_load %arg14[%swap3A_264] {strides = array<i32>} : memref<256xf32, #tpu.memory_space<vmem>>, vector<16xf32>,
    tpu.vector_store %arg14[%swap3A_264], %masked_cumsum3A_263 {strides = array<i32>} : memref<256xf32, #tpu.memory_space<vmem>>, vector<16xf32>,
    %broadcast_in_dim3A_266 = arith.constant true
    %broadcast_in_dim3A_267 = vector.broadcast %broadcast_in_dim3A_266 : i1 to vector<16xi1>
    %masked_cumsum3A_268 = tpu.scan <sum>, %scan3A_151#27 masked %broadcast_in_dim3A_267 : vector<16xf32>, vector<16xi1> -> vector<16xf32>
    %swap3A_269 = arith.constant 176 : index
    %swap3A_270 = tpu.vector_load %arg15[%swap3A_269] {strides = array<i32>} : memref<256xf32, #tpu.memory_space<vmem>>, vector<16xf32>,
    tpu.vector_store %arg15[%swap3A_269], %masked_cumsum3A_268 {strides = array<i32>} : memref<256xf32, #tpu.memory_space<vmem>>, vector<16xf32>,
    %broadcast_in_dim3A_271 = arith.constant true
    %broadcast_in_dim3A_272 = vector.broadcast %broadcast_in_dim3A_271 : i1 to vector<16xi1>
    %masked_cumsum3A_273 = tpu.scan <sum>, %scan3A_151#12 masked %broadcast_in_dim3A_272 : vector<16xf32>, vector<16xi1> -> vector<16xf32>
    %swap3A_274 = arith.constant 192 : index
    %swap3A_275 = tpu.vector_load %arg14[%swap3A_274] {strides = array<i32>} : memref<256xf32, #tpu.memory_space<vmem>>, vector<16xf32>,
    tpu.vector_store %arg14[%swap3A_274], %masked_cumsum3A_273 {strides = array<i32>} : memref<256xf32, #tpu.memory_space<vmem>>, vector<16xf32>,
    %broadcast_in_dim3A_276 = arith.constant true
    %broadcast_in_dim3A_277 = vector.broadcast %broadcast_in_dim3A_276 : i1 to vector<16xi1>
    %masked_cumsum3A_278 = tpu.scan <sum>, %scan3A_151#28 masked %broadcast_in_dim3A_277 : vector<16xf32>, vector<16xi1> -> vector<16xf32>
    %swap3A_279 = arith.constant 192 : index
    %swap3A_280 = tpu.vector_load %arg15[%swap3A_279] {strides = array<i32>} : memref<256xf32, #tpu.memory_space<vmem>>, vector<16xf32>,
    tpu.vector_store %arg15[%swap3A_279], %masked_cumsum3A_278 {strides = array<i32>} : memref<256xf32, #tpu.memory_space<vmem>>, vector<16xf32>,
    %broadcast_in_dim3A_281 = arith.constant true
    %broadcast_in_dim3A_282 = vector.broadcast %broadcast_in_dim3A_281 : i1 to vector<16xi1>
    %masked_cumsum3A_283 = tpu.scan <sum>, %scan3A_151#13 masked %broadcast_in_dim3A_282 : vector<16xf32>, vector<16xi1> -> vector<16xf32>
    %swap3A_284 = arith.constant 208 : index
    %swap3A_285 = tpu.vector_load %arg14[%swap3A_284] {strides = array<i32>} : memref<256xf32, #tpu.memory_space<vmem>>, vector<16xf32>,
    tpu.vector_store %arg14[%swap3A_284], %masked_cumsum3A_283 {strides = array<i32>} : memref<256xf32, #tpu.memory_space<vmem>>, vector<16xf32>,
    %broadcast_in_dim3A_286 = arith.constant true
    %broadcast_in_dim3A_287 = vector.broadcast %broadcast_in_dim3A_286 : i1 to vector<16xi1>
    %masked_cumsum3A_288 = tpu.scan <sum>, %scan3A_151#29 masked %broadcast_in_dim3A_287 : vector<16xf32>, vector<16xi1> -> vector<16xf32>
    %swap3A_289 = arith.constant 208 : index
    %swap3A_290 = tpu.vector_load %arg15[%swap3A_289] {strides = array<i32>} : memref<256xf32, #tpu.memory_space<vmem>>, vector<16xf32>,
    tpu.vector_store %arg15[%swap3A_289], %masked_cumsum3A_288 {strides = array<i32>} : memref<256xf32, #tpu.memory_space<vmem>>, vector<16xf32>,
    %broadcast_in_dim3A_291 = arith.constant true
    %broadcast_in_dim3A_292 = vector.broadcast %broadcast_in_dim3A_291 : i1 to vector<16xi1>
    %masked_cumsum3A_293 = tpu.scan <sum>, %scan3A_151#14 masked %broadcast_in_dim3A_292 : vector<16xf32>, vector<16xi1> -> vector<16xf32>
    %swap3A_294 = arith.constant 224 : index
    %swap3A_295 = tpu.vector_load %arg14[%swap3A_294] {strides = array<i32>} : memref<256xf32, #tpu.memory_space<vmem>>, vector<16xf32>,
    tpu.vector_store %arg14[%swap3A_294], %masked_cumsum3A_293 {strides = array<i32>} : memref<256xf32, #tpu.memory_space<vmem>>, vector<16xf32>,
    %broadcast_in_dim3A_296 = arith.constant true
    %broadcast_in_dim3A_297 = vector.broadcast %broadcast_in_dim3A_296 : i1 to vector<16xi1>
    %masked_cumsum3A_298 = tpu.scan <sum>, %scan3A_151#30 masked %broadcast_in_dim3A_297 : vector<16xf32>, vector<16xi1> -> vector<16xf32>
    %swap3A_299 = arith.constant 224 : index
    %swap3A_300 = tpu.vector_load %arg15[%swap3A_299] {strides = array<i32>} : memref<256xf32, #tpu.memory_space<vmem>>, vector<16xf32>,
    tpu.vector_store %arg15[%swap3A_299], %masked_cumsum3A_298 {strides = array<i32>} : memref<256xf32, #tpu.memory_space<vmem>>, vector<16xf32>,
    %broadcast_in_dim3A_301 = arith.constant true
    %broadcast_in_dim3A_302 = vector.broadcast %broadcast_in_dim3A_301 : i1 to vector<16xi1>
    %masked_cumsum3A_303 = tpu.scan <sum>, %scan3A_151#15 masked %broadcast_in_dim3A_302 : vector<16xf32>, vector<16xi1> -> vector<16xf32>
    %swap3A_304 = arith.constant 240 : index
    %swap3A_305 = tpu.vector_load %arg14[%swap3A_304] {strides = array<i32>} : memref<256xf32, #tpu.memory_space<vmem>>, vector<16xf32>,
    tpu.vector_store %arg14[%swap3A_304], %masked_cumsum3A_303 {strides = array<i32>} : memref<256xf32, #tpu.memory_space<vmem>>, vector<16xf32>,
    %broadcast_in_dim3A_306 = arith.constant true
    %broadcast_in_dim3A_307 = vector.broadcast %broadcast_in_dim3A_306 : i1 to vector<16xi1>
    %masked_cumsum3A_308 = tpu.scan <sum>, %scan3A_151#31 masked %broadcast_in_dim3A_307 : vector<16xf32>, vector<16xi1> -> vector<16xf32>
    %swap3A_309 = arith.constant 240 : index
    %swap3A_310 = tpu.vector_load %arg15[%swap3A_309] {strides = array<i32>} : memref<256xf32, #tpu.memory_space<vmem>>, vector<16xf32>,
    tpu.vector_store %arg15[%swap3A_309], %masked_cumsum3A_308 {strides = array<i32>} : memref<256xf32, #tpu.memory_space<vmem>>, vector<16xf32>,
    %mul3A_311 = arith.constant 16 : i32
    %mul3A_312 = vector.broadcast %mul3A_311 : i32 to vector<16xi32>
    %mul3A_313 = arith.muli %iota3A, %mul3A_312 : vector<16xi32>
    %add3A_314 = arith.constant 15 : i32
    %add3A_315 = vector.broadcast %add3A_314 : i32 to vector<16xi32>
    %add3A_316 = arith.addi %mul3A_313, %add3A_315 : vector<16xi32>
    %gather3A = tpu.vector_load_idx %arg14[%add3A_316] : memref<256xf32, #tpu.memory_space<vmem>>[vector<16xi32>], vector<16xf32>,
    %swap3A_317 = arith.constant 0 : index
    %swap3A_318 = tpu.vector_load %arg16[%swap3A_317] {strides = array<i32>} : memref<16xf32, #tpu.memory_space<vmem>>, vector<16xf32>,
    tpu.vector_store %arg16[%swap3A_317], %gather3A {strides = array<i32>} : memref<16xf32, #tpu.memory_space<vmem>>, vector<16xf32>,
    %gather3A_319 = tpu.vector_load_idx %arg15[%add3A_316] : memref<256xf32, #tpu.memory_space<vmem>>[vector<16xi32>], vector<16xf32>,
    %swap3A_320 = arith.constant 0 : index
    %swap3A_321 = tpu.vector_load %arg17[%swap3A_320] {strides = array<i32>} : memref<16xf32, #tpu.memory_space<vmem>>, vector<16xf32>,
    tpu.vector_store %arg17[%swap3A_320], %gather3A_319 {strides = array<i32>} : memref<16xf32, #tpu.memory_space<vmem>>, vector<16xf32>,
    %dma_start3A_322 = tpu.memref_slice %arg3[%mul3A_2] : memref<16384xi32, #tpu.memory_space<hbm>> -> memref<512xi32, #tpu.memory_space<hbm>>
    %dma_start3A_323 = tpu.memref_slice %arg3[%mul3A_2] : memref<16384xi32, #tpu.memory_space<hbm>> -> memref<512xi32, #tpu.memory_space<hbm>>
    tpu.enqueue_dma source(%arg10 : memref<512xi32, #tpu.memory_space<vmem>>) target(%dma_start3A_323 : memref<512xi32, #tpu.memory_space<hbm>>) target_semaphore(%arg18 : memref<!tpu.dma_semaphore, #tpu.memory_space<semaphore_mem>>)
    %dma_start3A_324 = tpu.memref_slice %arg4[%mul3A_2] : memref<16384xi32, #tpu.memory_space<hbm>> -> memref<512xi32, #tpu.memory_space<hbm>>
    %dma_start3A_325 = tpu.memref_slice %arg4[%mul3A_2] : memref<16384xi32, #tpu.memory_space<hbm>> -> memref<512xi32, #tpu.memory_space<hbm>>
    tpu.enqueue_dma source(%arg11 : memref<512xi32, #tpu.memory_space<vmem>>) target(%dma_start3A_325 : memref<512xi32, #tpu.memory_space<hbm>>) target_semaphore(%arg18 : memref<!tpu.dma_semaphore, #tpu.memory_space<semaphore_mem>>)
    %dma_start3A_326 = tpu.memref_slice %arg5[%mul3A_2] : memref<16384xf32, #tpu.memory_space<hbm>> -> memref<512xf32, #tpu.memory_space<hbm>>
    %dma_start3A_327 = tpu.memref_slice %arg5[%mul3A_2] : memref<16384xf32, #tpu.memory_space<hbm>> -> memref<512xf32, #tpu.memory_space<hbm>>
    tpu.enqueue_dma source(%arg12 : memref<512xf32, #tpu.memory_space<vmem>>) target(%dma_start3A_327 : memref<512xf32, #tpu.memory_space<hbm>>) target_semaphore(%arg18 : memref<!tpu.dma_semaphore, #tpu.memory_space<semaphore_mem>>)
    %dma_start3A_328 = tpu.memref_slice %arg6[%mul3A_2] : memref<16384xf32, #tpu.memory_space<hbm>> -> memref<512xf32, #tpu.memory_space<hbm>>
    %dma_start3A_329 = tpu.memref_slice %arg6[%mul3A_2] : memref<16384xf32, #tpu.memory_space<hbm>> -> memref<512xf32, #tpu.memory_space<hbm>>
    tpu.enqueue_dma source(%arg13 : memref<512xf32, #tpu.memory_space<vmem>>) target(%dma_start3A_329 : memref<512xf32, #tpu.memory_space<hbm>>) target_semaphore(%arg18 : memref<!tpu.dma_semaphore, #tpu.memory_space<semaphore_mem>>)
    %dma_start3A_330 = arith.constant 0 : i32
    %dma_start3A_331 = tpu.memref_slice %arg7[%add3A, %dma_start3A_330] : memref<32x16xf32, #tpu.memory_space<hbm>> -> memref<1x16xf32, #tpu.memory_space<hbm>>
    %dma_start3A_332 = tpu.memref_squeeze %dma_start3A_331 : memref<1x16xf32, #tpu.memory_space<hbm>> -> memref<16xf32, #tpu.memory_space<hbm>>
    %dma_start3A_333 = arith.constant 0 : i32
    %dma_start3A_334 = tpu.memref_slice %arg7[%add3A, %dma_start3A_333] : memref<32x16xf32, #tpu.memory_space<hbm>> -> memref<1x16xf32, #tpu.memory_space<hbm>>
    %dma_start3A_335 = tpu.memref_squeeze %dma_start3A_334 : memref<1x16xf32, #tpu.memory_space<hbm>> -> memref<16xf32, #tpu.memory_space<hbm>>
    tpu.enqueue_dma source(%arg16 : memref<16xf32, #tpu.memory_space<vmem>>) target(%dma_start3A_335 : memref<16xf32, #tpu.memory_space<hbm>>) target_semaphore(%arg18 : memref<!tpu.dma_semaphore, #tpu.memory_space<semaphore_mem>>)
    %dma_start3A_336 = arith.constant 0 : i32
    %dma_start3A_337 = tpu.memref_slice %arg8[%add3A, %dma_start3A_336] : memref<32x16xf32, #tpu.memory_space<hbm>> -> memref<1x16xf32, #tpu.memory_space<hbm>>
    %dma_start3A_338 = tpu.memref_squeeze %dma_start3A_337 : memref<1x16xf32, #tpu.memory_space<hbm>> -> memref<16xf32, #tpu.memory_space<hbm>>
    %dma_start3A_339 = arith.constant 0 : i32
    %dma_start3A_340 = tpu.memref_slice %arg8[%add3A, %dma_start3A_339] : memref<32x16xf32, #tpu.memory_space<hbm>> -> memref<1x16xf32, #tpu.memory_space<hbm>>
    %dma_start3A_341 = tpu.memref_squeeze %dma_start3A_340 : memref<1x16xf32, #tpu.memory_space<hbm>> -> memref<16xf32, #tpu.memory_space<hbm>>
    tpu.enqueue_dma source(%arg17 : memref<16xf32, #tpu.memory_space<vmem>>) target(%dma_start3A_341 : memref<16xf32, #tpu.memory_space<hbm>>) target_semaphore(%arg18 : memref<!tpu.dma_semaphore, #tpu.memory_space<semaphore_mem>>)
    %dma_wait3A_342 = tpu.memref_slice %arg3[%mul3A_2] : memref<16384xi32, #tpu.memory_space<hbm>> -> memref<512xi32, #tpu.memory_space<hbm>>
    %dma_wait3A_343 = tpu.memref_slice %arg3[%mul3A_2] : memref<16384xi32, #tpu.memory_space<hbm>> -> memref<512xi32, #tpu.memory_space<hbm>>
    tpu.wait_dma2 semaphore(%arg18 : memref<!tpu.dma_semaphore, #tpu.memory_space<semaphore_mem>>) src(%arg10 : memref<512xi32, #tpu.memory_space<vmem>>) dst(%dma_wait3A_343 : memref<512xi32, #tpu.memory_space<hbm>>)
    %dma_wait3A_344 = tpu.memref_slice %arg4[%mul3A_2] : memref<16384xi32, #tpu.memory_space<hbm>> -> memref<512xi32, #tpu.memory_space<hbm>>
    %dma_wait3A_345 = tpu.memref_slice %arg4[%mul3A_2] : memref<16384xi32, #tpu.memory_space<hbm>> -> memref<512xi32, #tpu.memory_space<hbm>>
    tpu.wait_dma2 semaphore(%arg18 : memref<!tpu.dma_semaphore, #tpu.memory_space<semaphore_mem>>) src(%arg11 : memref<512xi32, #tpu.memory_space<vmem>>) dst(%dma_wait3A_345 : memref<512xi32, #tpu.memory_space<hbm>>)
    %dma_wait3A_346 = tpu.memref_slice %arg5[%mul3A_2] : memref<16384xf32, #tpu.memory_space<hbm>> -> memref<512xf32, #tpu.memory_space<hbm>>
    %dma_wait3A_347 = tpu.memref_slice %arg5[%mul3A_2] : memref<16384xf32, #tpu.memory_space<hbm>> -> memref<512xf32, #tpu.memory_space<hbm>>
    tpu.wait_dma2 semaphore(%arg18 : memref<!tpu.dma_semaphore, #tpu.memory_space<semaphore_mem>>) src(%arg12 : memref<512xf32, #tpu.memory_space<vmem>>) dst(%dma_wait3A_347 : memref<512xf32, #tpu.memory_space<hbm>>)
    %dma_wait3A_348 = tpu.memref_slice %arg6[%mul3A_2] : memref<16384xf32, #tpu.memory_space<hbm>> -> memref<512xf32, #tpu.memory_space<hbm>>
    %dma_wait3A_349 = tpu.memref_slice %arg6[%mul3A_2] : memref<16384xf32, #tpu.memory_space<hbm>> -> memref<512xf32, #tpu.memory_space<hbm>>
    tpu.wait_dma2 semaphore(%arg18 : memref<!tpu.dma_semaphore, #tpu.memory_space<semaphore_mem>>) src(%arg13 : memref<512xf32, #tpu.memory_space<vmem>>) dst(%dma_wait3A_349 : memref<512xf32, #tpu.memory_space<hbm>>)
    %dma_wait3A_350 = arith.constant 0 : i32
    %dma_wait3A_351 = tpu.memref_slice %arg7[%add3A, %dma_wait3A_350] : memref<32x16xf32, #tpu.memory_space<hbm>> -> memref<1x16xf32, #tpu.memory_space<hbm>>
    %dma_wait3A_352 = tpu.memref_squeeze %dma_wait3A_351 : memref<1x16xf32, #tpu.memory_space<hbm>> -> memref<16xf32, #tpu.memory_space<hbm>>
    %dma_wait3A_353 = arith.constant 0 : i32
    %dma_wait3A_354 = tpu.memref_slice %arg7[%add3A, %dma_wait3A_353] : memref<32x16xf32, #tpu.memory_space<hbm>> -> memref<1x16xf32, #tpu.memory_space<hbm>>
    %dma_wait3A_355 = tpu.memref_squeeze %dma_wait3A_354 : memref<1x16xf32, #tpu.memory_space<hbm>> -> memref<16xf32, #tpu.memory_space<hbm>>
    tpu.wait_dma2 semaphore(%arg18 : memref<!tpu.dma_semaphore, #tpu.memory_space<semaphore_mem>>) src(%arg16 : memref<16xf32, #tpu.memory_space<vmem>>) dst(%dma_wait3A_355 : memref<16xf32, #tpu.memory_space<hbm>>)
    %dma_wait3A_356 = arith.constant 0 : i32
    %dma_wait3A_357 = tpu.memref_slice %arg8[%add3A, %dma_wait3A_356] : memref<32x16xf32, #tpu.memory_space<hbm>> -> memref<1x16xf32, #tpu.memory_space<hbm>>
    %dma_wait3A_358 = tpu.memref_squeeze %dma_wait3A_357 : memref<1x16xf32, #tpu.memory_space<hbm>> -> memref<16xf32, #tpu.memory_space<hbm>>
    %dma_wait3A_359 = arith.constant 0 : i32
    %dma_wait3A_360 = tpu.memref_slice %arg8[%add3A, %dma_wait3A_359] : memref<32x16xf32, #tpu.memory_space<hbm>> -> memref<1x16xf32, #tpu.memory_space<hbm>>
    %dma_wait3A_361 = tpu.memref_squeeze %dma_wait3A_360 : memref<1x16xf32, #tpu.memory_space<hbm>> -> memref<16xf32, #tpu.memory_space<hbm>>
    tpu.wait_dma2 semaphore(%arg18 : memref<!tpu.dma_semaphore, #tpu.memory_space<semaphore_mem>>) src(%arg17 : memref<16xf32, #tpu.memory_space<vmem>>) dst(%dma_wait3A_361 : memref<16xf32, #tpu.memory_space<hbm>>)
    return
  }
}

module attributes {stable_mosaic.version = 14 : i64} {
  func.func @_matmul_body(%arg0: i32, %arg1: memref<1024x2048xf32, #tpu.memory_space<vmem>>, %arg2: memref<16x2048xf32, #tpu.memory_space<vmem>>, %arg3: memref<16x1xf32, #tpu.memory_space<vmem>>, %arg4: memref<2x8x8x128xf32, #tpu.memory_space<vmem>>) attributes {dimension_semantics = [#tpu.dimension_semantics<arbitrary>], iteration_bounds = array<i64: 16>, scalar_prefetch = 0 : i64, scratch_operands = 0 : i64, tpu.core_type = #tpu.core_type<tc>, window_params = [{transform_indices = @transform_0, window_bounds = array<i64: 1024, 2048>}, {pipeline_mode = #tpu.pipeline_mode<synchronous>, transform_indices = @transform_1, window_bounds = array<i64: 16, 2048>}, {pipeline_mode = #tpu.pipeline_mode<synchronous>, transform_indices = @transform_2, window_bounds = array<i64: 16, 1>}, {transform_indices = @transform_3, window_bounds = array<i64: 2, 8, 8, 128>}]} {
    %get3A = arith.constant 0 : index
    %get3A_0 = arith.constant 0 : index
    %get3A_1 = vector.load %arg2[%get3A, %get3A_0] : memref<16x2048xf32, #tpu.memory_space<vmem>>, vector<16x2048xf32>
    %get3A_2 = arith.constant 0 : index
    %get3A_3 = arith.constant 0 : index
    %get3A_4 = vector.load %arg1[%get3A_2, %get3A_3] : memref<1024x2048xf32, #tpu.memory_space<vmem>>, vector<1024x2048xf32>
    %dot_general3A = arith.constant dense<0.000000e+00> : vector<16x1024xf32>
    %dot_general3A_5 = tpu.matmul %get3A_1, %get3A_4, %dot_general3A {dimension_numbers = #tpu.dot_dimension_numbers<[1], [1], [0], [0], [0, 0, 1, 0], [], []>, transpose_lhs_hint = false} : vector<16x2048xf32>, vector<1024x2048xf32>, vector<16x1024xf32> -> vector<16x1024xf32>
    %get3A_6 = arith.constant 0 : index
    %get3A_7 = arith.constant 0 : index
    %get3A_8 = vector.load %arg3[%get3A_6, %get3A_7] : memref<16x1xf32, #tpu.memory_space<vmem>>, vector<16x1xf32>
    %add3A = vector.broadcast %get3A_8 : vector<16x1xf32> to vector<16x1024xf32>
    %add3A_9 = arith.addf %dot_general3A_5, %add3A : vector<16x1024xf32>
    %slice3A = vector.extract_strided_slice %add3A_9 {offsets = [0, 0], sizes = [8, 1024], strides = [1, 1]} : vector<16x1024xf32> to vector<8x1024xf32>
    %slice3A_10 = vector.extract_strided_slice %slice3A {offsets = [0, 0], sizes = [8, 128], strides = [1, 1]} : vector<8x1024xf32> to vector<8x128xf32>
    %swap3A = arith.constant 0 : index
    %swap3A_11 = arith.constant 0 : index
    %swap3A_12 = arith.constant 0 : index
    %swap3A_13 = arith.constant 0 : index
    %swap3A_14 = vector.load %arg4[%swap3A, %swap3A_11, %swap3A_12, %swap3A_13] : memref<2x8x8x128xf32, #tpu.memory_space<vmem>>, vector<1x1x8x128xf32>
    %swap3A_15 = vector.shape_cast %swap3A_14 : vector<1x1x8x128xf32> to vector<8x128xf32>
    %swap3A_16 = vector.shape_cast %slice3A_10 : vector<8x128xf32> to vector<1x1x8x128xf32>
    tpu.vector_store %arg4[%swap3A, %swap3A_11, %swap3A_12, %swap3A_13], %swap3A_16 {strides = array<i32>} : memref<2x8x8x128xf32, #tpu.memory_space<vmem>>, vector<1x1x8x128xf32>,
    %slice3A_17 = vector.extract_strided_slice %slice3A {offsets = [0, 128], sizes = [8, 128], strides = [1, 1]} : vector<8x1024xf32> to vector<8x128xf32>
    %swap3A_18 = arith.constant 0 : index
    %swap3A_19 = arith.constant 1 : index
    %swap3A_20 = arith.constant 0 : index
    %swap3A_21 = arith.constant 0 : index
    %swap3A_22 = vector.load %arg4[%swap3A_18, %swap3A_19, %swap3A_20, %swap3A_21] : memref<2x8x8x128xf32, #tpu.memory_space<vmem>>, vector<1x1x8x128xf32>
    %swap3A_23 = vector.shape_cast %swap3A_22 : vector<1x1x8x128xf32> to vector<8x128xf32>
    %swap3A_24 = vector.shape_cast %slice3A_17 : vector<8x128xf32> to vector<1x1x8x128xf32>
    tpu.vector_store %arg4[%swap3A_18, %swap3A_19, %swap3A_20, %swap3A_21], %swap3A_24 {strides = array<i32>} : memref<2x8x8x128xf32, #tpu.memory_space<vmem>>, vector<1x1x8x128xf32>,
    %slice3A_25 = vector.extract_strided_slice %slice3A {offsets = [0, 256], sizes = [8, 128], strides = [1, 1]} : vector<8x1024xf32> to vector<8x128xf32>
    %swap3A_26 = arith.constant 0 : index
    %swap3A_27 = arith.constant 2 : index
    %swap3A_28 = arith.constant 0 : index
    %swap3A_29 = arith.constant 0 : index
    %swap3A_30 = vector.load %arg4[%swap3A_26, %swap3A_27, %swap3A_28, %swap3A_29] : memref<2x8x8x128xf32, #tpu.memory_space<vmem>>, vector<1x1x8x128xf32>
    %swap3A_31 = vector.shape_cast %swap3A_30 : vector<1x1x8x128xf32> to vector<8x128xf32>
    %swap3A_32 = vector.shape_cast %slice3A_25 : vector<8x128xf32> to vector<1x1x8x128xf32>
    tpu.vector_store %arg4[%swap3A_26, %swap3A_27, %swap3A_28, %swap3A_29], %swap3A_32 {strides = array<i32>} : memref<2x8x8x128xf32, #tpu.memory_space<vmem>>, vector<1x1x8x128xf32>,
    %slice3A_33 = vector.extract_strided_slice %slice3A {offsets = [0, 384], sizes = [8, 128], strides = [1, 1]} : vector<8x1024xf32> to vector<8x128xf32>
    %swap3A_34 = arith.constant 0 : index
    %swap3A_35 = arith.constant 3 : index
    %swap3A_36 = arith.constant 0 : index
    %swap3A_37 = arith.constant 0 : index
    %swap3A_38 = vector.load %arg4[%swap3A_34, %swap3A_35, %swap3A_36, %swap3A_37] : memref<2x8x8x128xf32, #tpu.memory_space<vmem>>, vector<1x1x8x128xf32>
    %swap3A_39 = vector.shape_cast %swap3A_38 : vector<1x1x8x128xf32> to vector<8x128xf32>
    %swap3A_40 = vector.shape_cast %slice3A_33 : vector<8x128xf32> to vector<1x1x8x128xf32>
    tpu.vector_store %arg4[%swap3A_34, %swap3A_35, %swap3A_36, %swap3A_37], %swap3A_40 {strides = array<i32>} : memref<2x8x8x128xf32, #tpu.memory_space<vmem>>, vector<1x1x8x128xf32>,
    %slice3A_41 = vector.extract_strided_slice %slice3A {offsets = [0, 512], sizes = [8, 128], strides = [1, 1]} : vector<8x1024xf32> to vector<8x128xf32>
    %swap3A_42 = arith.constant 0 : index
    %swap3A_43 = arith.constant 4 : index
    %swap3A_44 = arith.constant 0 : index
    %swap3A_45 = arith.constant 0 : index
    %swap3A_46 = vector.load %arg4[%swap3A_42, %swap3A_43, %swap3A_44, %swap3A_45] : memref<2x8x8x128xf32, #tpu.memory_space<vmem>>, vector<1x1x8x128xf32>
    %swap3A_47 = vector.shape_cast %swap3A_46 : vector<1x1x8x128xf32> to vector<8x128xf32>
    %swap3A_48 = vector.shape_cast %slice3A_41 : vector<8x128xf32> to vector<1x1x8x128xf32>
    tpu.vector_store %arg4[%swap3A_42, %swap3A_43, %swap3A_44, %swap3A_45], %swap3A_48 {strides = array<i32>} : memref<2x8x8x128xf32, #tpu.memory_space<vmem>>, vector<1x1x8x128xf32>,
    %slice3A_49 = vector.extract_strided_slice %slice3A {offsets = [0, 640], sizes = [8, 128], strides = [1, 1]} : vector<8x1024xf32> to vector<8x128xf32>
    %swap3A_50 = arith.constant 0 : index
    %swap3A_51 = arith.constant 5 : index
    %swap3A_52 = arith.constant 0 : index
    %swap3A_53 = arith.constant 0 : index
    %swap3A_54 = vector.load %arg4[%swap3A_50, %swap3A_51, %swap3A_52, %swap3A_53] : memref<2x8x8x128xf32, #tpu.memory_space<vmem>>, vector<1x1x8x128xf32>
    %swap3A_55 = vector.shape_cast %swap3A_54 : vector<1x1x8x128xf32> to vector<8x128xf32>
    %swap3A_56 = vector.shape_cast %slice3A_49 : vector<8x128xf32> to vector<1x1x8x128xf32>
    tpu.vector_store %arg4[%swap3A_50, %swap3A_51, %swap3A_52, %swap3A_53], %swap3A_56 {strides = array<i32>} : memref<2x8x8x128xf32, #tpu.memory_space<vmem>>, vector<1x1x8x128xf32>,
    %slice3A_57 = vector.extract_strided_slice %slice3A {offsets = [0, 768], sizes = [8, 128], strides = [1, 1]} : vector<8x1024xf32> to vector<8x128xf32>
    %swap3A_58 = arith.constant 0 : index
    %swap3A_59 = arith.constant 6 : index
    %swap3A_60 = arith.constant 0 : index
    %swap3A_61 = arith.constant 0 : index
    %swap3A_62 = vector.load %arg4[%swap3A_58, %swap3A_59, %swap3A_60, %swap3A_61] : memref<2x8x8x128xf32, #tpu.memory_space<vmem>>, vector<1x1x8x128xf32>
    %swap3A_63 = vector.shape_cast %swap3A_62 : vector<1x1x8x128xf32> to vector<8x128xf32>
    %swap3A_64 = vector.shape_cast %slice3A_57 : vector<8x128xf32> to vector<1x1x8x128xf32>
    tpu.vector_store %arg4[%swap3A_58, %swap3A_59, %swap3A_60, %swap3A_61], %swap3A_64 {strides = array<i32>} : memref<2x8x8x128xf32, #tpu.memory_space<vmem>>, vector<1x1x8x128xf32>,
    %slice3A_65 = vector.extract_strided_slice %slice3A {offsets = [0, 896], sizes = [8, 128], strides = [1, 1]} : vector<8x1024xf32> to vector<8x128xf32>
    %swap3A_66 = arith.constant 0 : index
    %swap3A_67 = arith.constant 7 : index
    %swap3A_68 = arith.constant 0 : index
    %swap3A_69 = arith.constant 0 : index
    %swap3A_70 = vector.load %arg4[%swap3A_66, %swap3A_67, %swap3A_68, %swap3A_69] : memref<2x8x8x128xf32, #tpu.memory_space<vmem>>, vector<1x1x8x128xf32>
    %swap3A_71 = vector.shape_cast %swap3A_70 : vector<1x1x8x128xf32> to vector<8x128xf32>
    %swap3A_72 = vector.shape_cast %slice3A_65 : vector<8x128xf32> to vector<1x1x8x128xf32>
    tpu.vector_store %arg4[%swap3A_66, %swap3A_67, %swap3A_68, %swap3A_69], %swap3A_72 {strides = array<i32>} : memref<2x8x8x128xf32, #tpu.memory_space<vmem>>, vector<1x1x8x128xf32>,
    %slice3A_73 = vector.extract_strided_slice %add3A_9 {offsets = [8, 0], sizes = [8, 1024], strides = [1, 1]} : vector<16x1024xf32> to vector<8x1024xf32>
    %slice3A_74 = vector.extract_strided_slice %slice3A_73 {offsets = [0, 0], sizes = [8, 128], strides = [1, 1]} : vector<8x1024xf32> to vector<8x128xf32>
    %swap3A_75 = arith.constant 1 : index
    %swap3A_76 = arith.constant 0 : index
    %swap3A_77 = arith.constant 0 : index
    %swap3A_78 = arith.constant 0 : index
    %swap3A_79 = vector.load %arg4[%swap3A_75, %swap3A_76, %swap3A_77, %swap3A_78] : memref<2x8x8x128xf32, #tpu.memory_space<vmem>>, vector<1x1x8x128xf32>
    %swap3A_80 = vector.shape_cast %swap3A_79 : vector<1x1x8x128xf32> to vector<8x128xf32>
    %swap3A_81 = vector.shape_cast %slice3A_74 : vector<8x128xf32> to vector<1x1x8x128xf32>
    tpu.vector_store %arg4[%swap3A_75, %swap3A_76, %swap3A_77, %swap3A_78], %swap3A_81 {strides = array<i32>} : memref<2x8x8x128xf32, #tpu.memory_space<vmem>>, vector<1x1x8x128xf32>,
    %slice3A_82 = vector.extract_strided_slice %slice3A_73 {offsets = [0, 128], sizes = [8, 128], strides = [1, 1]} : vector<8x1024xf32> to vector<8x128xf32>
    %swap3A_83 = arith.constant 1 : index
    %swap3A_84 = arith.constant 1 : index
    %swap3A_85 = arith.constant 0 : index
    %swap3A_86 = arith.constant 0 : index
    %swap3A_87 = vector.load %arg4[%swap3A_83, %swap3A_84, %swap3A_85, %swap3A_86] : memref<2x8x8x128xf32, #tpu.memory_space<vmem>>, vector<1x1x8x128xf32>
    %swap3A_88 = vector.shape_cast %swap3A_87 : vector<1x1x8x128xf32> to vector<8x128xf32>
    %swap3A_89 = vector.shape_cast %slice3A_82 : vector<8x128xf32> to vector<1x1x8x128xf32>
    tpu.vector_store %arg4[%swap3A_83, %swap3A_84, %swap3A_85, %swap3A_86], %swap3A_89 {strides = array<i32>} : memref<2x8x8x128xf32, #tpu.memory_space<vmem>>, vector<1x1x8x128xf32>,
    %slice3A_90 = vector.extract_strided_slice %slice3A_73 {offsets = [0, 256], sizes = [8, 128], strides = [1, 1]} : vector<8x1024xf32> to vector<8x128xf32>
    %swap3A_91 = arith.constant 1 : index
    %swap3A_92 = arith.constant 2 : index
    %swap3A_93 = arith.constant 0 : index
    %swap3A_94 = arith.constant 0 : index
    %swap3A_95 = vector.load %arg4[%swap3A_91, %swap3A_92, %swap3A_93, %swap3A_94] : memref<2x8x8x128xf32, #tpu.memory_space<vmem>>, vector<1x1x8x128xf32>
    %swap3A_96 = vector.shape_cast %swap3A_95 : vector<1x1x8x128xf32> to vector<8x128xf32>
    %swap3A_97 = vector.shape_cast %slice3A_90 : vector<8x128xf32> to vector<1x1x8x128xf32>
    tpu.vector_store %arg4[%swap3A_91, %swap3A_92, %swap3A_93, %swap3A_94], %swap3A_97 {strides = array<i32>} : memref<2x8x8x128xf32, #tpu.memory_space<vmem>>, vector<1x1x8x128xf32>,
    %slice3A_98 = vector.extract_strided_slice %slice3A_73 {offsets = [0, 384], sizes = [8, 128], strides = [1, 1]} : vector<8x1024xf32> to vector<8x128xf32>
    %swap3A_99 = arith.constant 1 : index
    %swap3A_100 = arith.constant 3 : index
    %swap3A_101 = arith.constant 0 : index
    %swap3A_102 = arith.constant 0 : index
    %swap3A_103 = vector.load %arg4[%swap3A_99, %swap3A_100, %swap3A_101, %swap3A_102] : memref<2x8x8x128xf32, #tpu.memory_space<vmem>>, vector<1x1x8x128xf32>
    %swap3A_104 = vector.shape_cast %swap3A_103 : vector<1x1x8x128xf32> to vector<8x128xf32>
    %swap3A_105 = vector.shape_cast %slice3A_98 : vector<8x128xf32> to vector<1x1x8x128xf32>
    tpu.vector_store %arg4[%swap3A_99, %swap3A_100, %swap3A_101, %swap3A_102], %swap3A_105 {strides = array<i32>} : memref<2x8x8x128xf32, #tpu.memory_space<vmem>>, vector<1x1x8x128xf32>,
    %slice3A_106 = vector.extract_strided_slice %slice3A_73 {offsets = [0, 512], sizes = [8, 128], strides = [1, 1]} : vector<8x1024xf32> to vector<8x128xf32>
    %swap3A_107 = arith.constant 1 : index
    %swap3A_108 = arith.constant 4 : index
    %swap3A_109 = arith.constant 0 : index
    %swap3A_110 = arith.constant 0 : index
    %swap3A_111 = vector.load %arg4[%swap3A_107, %swap3A_108, %swap3A_109, %swap3A_110] : memref<2x8x8x128xf32, #tpu.memory_space<vmem>>, vector<1x1x8x128xf32>
    %swap3A_112 = vector.shape_cast %swap3A_111 : vector<1x1x8x128xf32> to vector<8x128xf32>
    %swap3A_113 = vector.shape_cast %slice3A_106 : vector<8x128xf32> to vector<1x1x8x128xf32>
    tpu.vector_store %arg4[%swap3A_107, %swap3A_108, %swap3A_109, %swap3A_110], %swap3A_113 {strides = array<i32>} : memref<2x8x8x128xf32, #tpu.memory_space<vmem>>, vector<1x1x8x128xf32>,
    %slice3A_114 = vector.extract_strided_slice %slice3A_73 {offsets = [0, 640], sizes = [8, 128], strides = [1, 1]} : vector<8x1024xf32> to vector<8x128xf32>
    %swap3A_115 = arith.constant 1 : index
    %swap3A_116 = arith.constant 5 : index
    %swap3A_117 = arith.constant 0 : index
    %swap3A_118 = arith.constant 0 : index
    %swap3A_119 = vector.load %arg4[%swap3A_115, %swap3A_116, %swap3A_117, %swap3A_118] : memref<2x8x8x128xf32, #tpu.memory_space<vmem>>, vector<1x1x8x128xf32>
    %swap3A_120 = vector.shape_cast %swap3A_119 : vector<1x1x8x128xf32> to vector<8x128xf32>
    %swap3A_121 = vector.shape_cast %slice3A_114 : vector<8x128xf32> to vector<1x1x8x128xf32>
    tpu.vector_store %arg4[%swap3A_115, %swap3A_116, %swap3A_117, %swap3A_118], %swap3A_121 {strides = array<i32>} : memref<2x8x8x128xf32, #tpu.memory_space<vmem>>, vector<1x1x8x128xf32>,
    %slice3A_122 = vector.extract_strided_slice %slice3A_73 {offsets = [0, 768], sizes = [8, 128], strides = [1, 1]} : vector<8x1024xf32> to vector<8x128xf32>
    %swap3A_123 = arith.constant 1 : index
    %swap3A_124 = arith.constant 6 : index
    %swap3A_125 = arith.constant 0 : index
    %swap3A_126 = arith.constant 0 : index
    %swap3A_127 = vector.load %arg4[%swap3A_123, %swap3A_124, %swap3A_125, %swap3A_126] : memref<2x8x8x128xf32, #tpu.memory_space<vmem>>, vector<1x1x8x128xf32>
    %swap3A_128 = vector.shape_cast %swap3A_127 : vector<1x1x8x128xf32> to vector<8x128xf32>
    %swap3A_129 = vector.shape_cast %slice3A_122 : vector<8x128xf32> to vector<1x1x8x128xf32>
    tpu.vector_store %arg4[%swap3A_123, %swap3A_124, %swap3A_125, %swap3A_126], %swap3A_129 {strides = array<i32>} : memref<2x8x8x128xf32, #tpu.memory_space<vmem>>, vector<1x1x8x128xf32>,
    %slice3A_130 = vector.extract_strided_slice %slice3A_73 {offsets = [0, 896], sizes = [8, 128], strides = [1, 1]} : vector<8x1024xf32> to vector<8x128xf32>
    %swap3A_131 = arith.constant 1 : index
    %swap3A_132 = arith.constant 7 : index
    %swap3A_133 = arith.constant 0 : index
    %swap3A_134 = arith.constant 0 : index
    %swap3A_135 = vector.load %arg4[%swap3A_131, %swap3A_132, %swap3A_133, %swap3A_134] : memref<2x8x8x128xf32, #tpu.memory_space<vmem>>, vector<1x1x8x128xf32>
    %swap3A_136 = vector.shape_cast %swap3A_135 : vector<1x1x8x128xf32> to vector<8x128xf32>
    %swap3A_137 = vector.shape_cast %slice3A_130 : vector<8x128xf32> to vector<1x1x8x128xf32>
    tpu.vector_store %arg4[%swap3A_131, %swap3A_132, %swap3A_133, %swap3A_134], %swap3A_137 {strides = array<i32>} : memref<2x8x8x128xf32, #tpu.memory_space<vmem>>, vector<1x1x8x128xf32>,
    return
  }
  func.func @transform_0(%arg0: i32) -> (i32, i32) {
    %c0_i32 = arith.constant 0 : i32
    %c0_i32_0 = arith.constant 0 : i32
    return %arg0, %c0_i32 : i32, i32
  }
  func.func @transform_1(%arg0: i32) -> (i32, i32) {
    %c0_i32 = arith.constant 0 : i32
    %c0_i32_0 = arith.constant 0 : i32
    %c0_i32_1 = arith.constant 0 : i32
    return %c0_i32, %c0_i32_0 : i32, i32
  }
  func.func @transform_2(%arg0: i32) -> (i32, i32) {
    %c0_i32 = arith.constant 0 : i32
    %c0_i32_0 = arith.constant 0 : i32
    %c0_i32_1 = arith.constant 0 : i32
    return %c0_i32, %c0_i32_0 : i32, i32
  }
  func.func @transform_3(%arg0: i32) -> (i32, i32, i32, i32) {
    %c0_i32 = arith.constant 0 : i32
    %c0_i32_0 = arith.constant 0 : i32
    %c0_i32_1 = arith.constant 0 : i32
    %c0_i32_2 = arith.constant 0 : i32
    return %c0_i32, %arg0, %c0_i32_0, %c0_i32_1 : i32, i32, i32, i32
  }
}

module attributes {stable_mosaic.version = 14 : i64} {
  func.func @_aux_body(%arg0: memref<32x16xf32, #tpu.memory_space<vmem>>, %arg1: memref<32x16xf32, #tpu.memory_space<vmem>>, %arg2: memref<1x1xf32, #tpu.memory_space<smem>>) attributes {dimension_semantics = [], scalar_prefetch = 0 : i64, scratch_operands = 0 : i64, tpu.core_type = #tpu.core_type<tc>} {
    %get3A = arith.constant 0 : index
    %get3A_0 = arith.constant 0 : index
    %get3A_1 = vector.load %arg0[%get3A, %get3A_0] : memref<32x16xf32, #tpu.memory_space<vmem>>, vector<32x16xf32>
    %reduce_sum3A = arith.constant dense<0.000000e+00> : vector<16xf32>
    %reduce_sum3A_2 = vector.multi_reduction <add>, %get3A_1, %reduce_sum3A [0] : vector<32x16xf32> to vector<16xf32>
    %mul3A = arith.constant 6.10351563E-5 : f32
    %mul3A_3 = vector.broadcast %mul3A : f32 to vector<16xf32>
    %mul3A_4 = arith.mulf %reduce_sum3A_2, %mul3A_3 : vector<16xf32>
    %get3A_5 = arith.constant 0 : index
    %get3A_6 = arith.constant 0 : index
    %get3A_7 = vector.load %arg1[%get3A_5, %get3A_6] : memref<32x16xf32, #tpu.memory_space<vmem>>, vector<32x16xf32>
    %reduce_sum3A_8 = arith.constant dense<0.000000e+00> : vector<16xf32>
    %reduce_sum3A_9 = vector.multi_reduction <add>, %get3A_7, %reduce_sum3A_8 [0] : vector<32x16xf32> to vector<16xf32>
    %mul3A_10 = arith.constant 6.10351563E-5 : f32
    %mul3A_11 = vector.broadcast %mul3A_10 : f32 to vector<16xf32>
    %mul3A_12 = arith.mulf %reduce_sum3A_9, %mul3A_11 : vector<16xf32>
    %mul3A_13 = arith.constant 1.600000e+01 : f32
    %mul3A_14 = vector.broadcast %mul3A_13 : f32 to vector<16xf32>
    %mul3A_15 = arith.mulf %mul3A_14, %mul3A_4 : vector<16xf32>
    %mul3A_16 = arith.mulf %mul3A_15, %mul3A_12 : vector<16xf32>
    %reduce_sum3A_17 = vector.shape_cast %mul3A_16 : vector<16xf32> to vector<1x16xf32>
    %reduce_sum3A_18 = arith.constant dense<0.000000e+00> : vector<1xf32>
    %reduce_sum3A_19 = vector.multi_reduction <add>, %reduce_sum3A_17, %reduce_sum3A_18 [1] : vector<1x16xf32> to vector<1xf32>
    %reduce_sum3A_20 = vector.shape_cast %reduce_sum3A_19 : vector<1xf32> to vector<1x1xf32>
    %reduce_sum3A_21 = vector.extract %reduce_sum3A_20[0, 0] : f32 from vector<1x1xf32>
    %swap3A = arith.constant 0 : index
    %swap3A_22 = arith.constant 0 : index
    %swap3A_23 = memref.load %arg2[%swap3A, %swap3A_22] : memref<1x1xf32, #tpu.memory_space<smem>>
    memref.store %reduce_sum3A_21, %arg2[%swap3A, %swap3A_22] : memref<1x1xf32, #tpu.memory_space<smem>>
    return
  }
}

</mosaic_0001>

<sc_bundles>
// kernel: kernel.5.cloned.1.call-start
scs
__scs_entry_jumppad:
0x0: {  	(pc) =	sbr.rel $0x88, $3  }
0x1: {  	(tag) =	ssettag $0x0;
	lr =	simm.s32 $0x1  }
0x2: {  	[smem:$0x3F9E] =	sst lr;
	_ =	strace $0xD0000000  }
0x3: {  	_ = 	snop  }
0x4: {  	_ = 	snop  }
0x5: {  	_ = 	snop  }
0x6: {  	_ = 	snop  }
0x7: {  	_ = 	snop  }
__scs_overlays_trampoline_lowered:
0x8: {  	[smem:$0x3FAD] =	sst s0  }
0x9: {  	[smem:$0x3FAE] =	sst s1  }
0xa: {  	[smem:$0x3FAF] =	sst s2  }
0xb: {  	[smem:$0x3FB0] =	sst s3  }
0xc: {  	[smem:$0x3FB1] =	sst s4  }
0xd: {  	[smem:$0x3FB2] =	sst s5  }
0xe: {  	[smem:$0x3FB3] =	sst s6  }
0xf: {  	[smem:$0x3FB4] =	sst s7  }
0x10: {  	[smem:$0x3FB5] =	sst s8  }
0x11: {  	[smem:$0x3FB6] =	sst s9;
	s0 =	simm.s32 @!p0 $0x0  }
0x12: {  	s1 =	sld [smem:$0x3F9C];
	s0 =	simm.s32 @p0 $0x1  }
0x13: {  	[smem:$0x3FB7] =	sst s0;
	s0 =	simm.s32 @!p1 $0x0  }
0x14: {  	s2 =	sld [smem:$0x3F9B];
	s0 =	simm.s32 @p1 $0x1  }
0x15: {  	[smem:$0x3FB8] =	sst s0;
	s0 =	simm.s32 @!p2 $0x0  }
0x16: {  	s3 =	sld [smem:$0x3FDB];
	s0 =	simm.s32 @p2 $0x1  }
0x17: {  	s4 =	simm.s32 $0x1BF5;
	[smem:$0x3FBA] =	sst s0  }
0x18: {  	s0 =	sld [smem:$0x3F9D];
	_ =	swait.ge [sflag:s4], $0x0  }
0x19: {  	s7 =	sld [smem:$0x3F9E]  }
0x1a: {  	s8 =	sadd.s32 $0xFFFFE003, lr  }
0x1b: {  	s9 =	sadd.s32 $0xFFFFFEF7, lr;
	s5 =	simm.s32 $0xFFFFFFFF;
	p2 =	slt.u32 s8, $0xFFFFF086  }
0x1c: {  	p1 =	slt.u32 s9, $0xF7A;
	s5 =	simm.s32 @!p2 $0x0  }
0x1d: {  	s5 =	simm.s32 @p1 $0x1;
	p0 =	seq.s32 s7, s2  }
0x1e: {  	s7 =	smul.u32 @!p0 $0xF7A, s2;
	p2 =	seq.s32 @!p0 s5, $0x0  }
0x1f: {  	s9 =	smul.u32 $0xF7A, s1;
	s8 =	simm.s32 @!p0 $0x1BF5;
	p2 =	por !p2, p0  }
0x20: {  	[sflag:s8] =	ssyncset.s32 @!p0 $0xFFFFF086;
	s6 =	sadd.s32 @!p0 s3, s7;
	s7 =	simm.s32 @!p0 $0x108  }
0x21: {  	s3 =	sadd.s32 s3, s9;
	s6 =	sadd.s32 @!p0 $0x88, s6;
	s7 =	simm.s32 @p2 $0x1082  }
0x22: {  	[simem:s7], [sflag:s8] =	dma.local @!p0 [hbm:s6], $0xF7A  }
0x23: {  	s9 =	sor.u32 $0xD0000000, s2;
	s6 =	simm.s32 $0x108;
	_ =	swait.ge @!p0 [sflag:s8], $0x0  }
0x24: {  	s3 =	sadd.s32 $0x88, s3;
	s6 =	simm.s32 @!p1 $0x1082;
	[sflag:s4] =	ssyncset.s32 $0xFFFFF086  }
0x25: {  	[simem:s6], [sflag:s4] =	dma.local [hbm:s3], $0xF7A  }
0x26: {  	[smem:$0x3F9E] =	sst s1;
	(tag) =	ssettag s2;
	_ =	strace s9  }
0x27: {  	s1 =	sld [smem:$0x3FAE]  }
0x28: {  	s2 =	sld [smem:$0x3FAF]  }
0x29: {  	s4 =	sld [smem:$0x3FB1]  }
0x2a: {  	p0 =	seq.s32 s5, $0x0;
	s5 =	sld [smem:$0x3FB2]  }
0x2b: {  	s6 =	sld [smem:$0x3FB3]  }
0x2c: {  	s7 =	sld [smem:$0x3FB4]  }
0x2d: {  	s3 =	simm.s32 $0x108;
	s8 =	sld [smem:$0x3FB5]  }
0x2e: {  	s3 =	simm.s32 @!p0 $0x1082;
	s9 =	sld [smem:$0x3FB6]  }
0x2f: {  	lr =	sadd.s32 s0, s3;
	s0 =	sld [smem:$0x3FAD]  }
0x30: {  	s3 =	sld [smem:$0x3FB0]  }
0x31: {  	[smem:$0x3FB9] =	sst s10  }
0x32: {  	s10 =	sld [smem:$0x3FB7];
	_ =	sdelay $0x3  }
0x33: {  	p0 =	seq.s32 s10, $0x1;
	s10 =	sld [smem:$0x3FB9];
	_ =	sdelay $0x3  }
0x34: {  	[smem:$0x3FB9] =	sst s10  }
0x35: {  	s10 =	sld [smem:$0x3FB8];
	_ =	sdelay $0x3  }
0x36: {  	p1 =	seq.s32 s10, $0x1;
	s10 =	sld [smem:$0x3FB9];
	_ =	sdelay $0x3  }
0x37: {  	[smem:$0x3FB9] =	sst s10  }
0x38: {  	s10 =	sld [smem:$0x3FBA]  }
0x39: {  	_ = 	snop;
	(pc) =	sbr.ind lr, $3  }
0x3a: {  	_ = 	snop  }
0x3b: {  	_ = 	snop  }
0x3c: {  	p2 =	seq.s32 s10, $0x1;
	s10 =	sld [smem:$0x3FB9]  }
0x3d: {  	_ =	shalt  }
0x3e: {  	_ =	shalt  }
0x3f: {  	_ =	shalt  }
0x40: {  	_ =	shalt  }
0x41: {  	_ =	shalt  }
0x42: {  	_ =	shalt  }
0x43: {  	_ =	shalt  }
0x44: {  	_ =	shalt  }
0x45: {  	_ =	shalt  }
0x46: {  	_ =	shalt  }
0x47: {  	_ =	shalt  }
0x48: {  	_ =	shalt  }
0x49: {  	_ =	shalt  }
0x4a: {  	_ =	shalt  }
0x4b: {  	_ =	shalt  }
0x4c: {  	_ =	shalt  }
0x4d: {  	_ =	shalt  }
0x4e: {  	_ =	shalt  }
0x4f: {  	_ =	shalt  }
0x50: {  	_ =	shalt  }
0x51: {  	_ =	shalt  }
0x52: {  	_ =	shalt  }
0x53: {  	_ =	shalt  }
0x54: {  	_ =	shalt  }
0x55: {  	_ =	shalt  }
0x56: {  	_ =	shalt  }
0x57: {  	_ =	shalt  }
0x58: {  	_ =	shalt  }
0x59: {  	_ =	shalt  }
0x5a: {  	_ =	shalt  }
0x5b: {  	_ =	shalt  }
0x5c: {  	_ =	shalt  }
0x5d: {  	_ =	shalt  }
0x5e: {  	_ =	shalt  }
0x5f: {  	_ =	shalt  }
0x60: {  	_ =	shalt  }
0x61: {  	_ =	shalt  }
0x62: {  	_ =	shalt  }
0x63: {  	_ =	shalt  }
0x64: {  	_ =	shalt  }
0x65: {  	_ =	shalt  }
0x66: {  	_ =	shalt  }
0x67: {  	_ =	shalt  }
0x68: {  	_ =	shalt  }
0x69: {  	_ =	shalt  }
0x6a: {  	_ =	shalt  }
0x6b: {  	_ =	shalt  }
0x6c: {  	_ =	shalt  }
0x6d: {  	_ =	shalt  }
0x6e: {  	_ =	shalt  }
0x6f: {  	_ =	shalt  }
0x70: {  	_ =	shalt  }
0x71: {  	_ =	shalt  }
0x72: {  	_ =	shalt  }
0x73: {  	_ =	shalt  }
0x74: {  	_ =	shalt  }
0x75: {  	_ =	shalt  }
0x76: {  	_ =	shalt  }
0x77: {  	_ =	shalt  }
0x78: {  	_ =	shalt  }
0x79: {  	_ =	shalt  }
0x7a: {  	_ =	shalt  }
0x7b: {  	_ =	shalt  }
0x7c: {  	_ =	shalt  }
0x7d: {  	_ =	shalt  }
0x7e: {  	_ =	shalt  }
0x7f: {  	_ =	shalt  }
0x80: {  	_ =	shalt  }
0x81: {  	_ =	shalt  }
0x82: {  	_ =	shalt  }
0x83: {  	_ =	shalt  }
0x84: {  	_ =	shalt  }
0x85: {  	_ =	shalt  }
0x86: {  	_ =	shalt  }
0x87: {  	_ =	shalt  }
.Lfunc_end0:
.L_simem_size_0:
called_computation_lowered:
.L_overlay_start_0:
0x88: {  	s2 =	sld [smem:$0x3FD9]  }
0x89: {  	s3 =	sld [smem:$0x3FFE];
	_ =	sdelay $0x1  }
0x8a: {  	s1 =	srdreg.scid  }
0x8b: {  	s0 =	sand.u32 $0x1, s1  }
0x8c: {  	s14 =	sshll.u32 s0, $0xA;
	s2 =	sadd.s32 s3, s2  }
0x8d: {  	s2 =	sadd.s32 s2, s14  }
0x8e: {  	[smem:$0x3FC5] =	sst s2  }
0x8f: {  	_ = 	snop  }
0x90: {  	s2 =	sld [smem:$0x3FD0];
	_ =	sdelay $0x2  }
0x91: {  	s15 =	simm.s32 $0xA;
	s4 =	simm.s32 $0x10  }
0x92: {  	[smem:s4], [sflag:s15] =	dma.local [hbm:s2], $0x1  }
0x93: {  	_ =	swait.eq [sflag:s15], $0x1  }
0x94: {  	[sflag:s15] =	ssyncset.done $0x0  }
0x95: {  	s16 =	sld [smem:$0x10];
	[sflag:s15] =	ssyncadd.s32 $0xFFFFFFFF  }
0x96: {  	s17 =	sld [smem:$0x11];
	(tm) =	ssettm $0x1  }
0x97: {  	s18 =	sld [smem:$0x3FFB];
	_ =	sdelay $0x3  }
0x98: {  	_ =	strace s18  }
0x99: {  	s4 =	sld [smem:$0x3FFC];
	_ =	sdelay $0x3  }
0x9a: {  	_ =	strace s4  }
0x9b: {  	s4 =	sld [smem:$0x3FFD];
	_ =	sdelay $0x3  }
0x9c: {  	_ =	strace s4  }
0x9d: {  	_ =	strace $0x8FFFFFFF  }
0x9e: {  	s19 =	sld [smem:$0x3FDB];
	_ =	sdelay $0x1  }
0x9f: {  	s5 =	simm.s32 $_scs_section_size  }
0xa0: {  	s6 =	simm.s32 $_size__tile_overlayer_lowered;
	s7 =	simm.s32 $_tile_overlayer_lowered  }
0xa1: {  	s22 =	simm.s32 $0x1BFF;
	s21 =	sshll.u32 s7, $0x1;
	s4 =	sadd.s32 s5, s19  }
0xa2: {  	s8 =	simm.s32 $0x0;
	s20 =	sshll.u32 s6, $0x1;
	s6 =	sadd.s32 s21, s4  }
0xa3: {  	[timem:s8], [sflag:s22] =	dma.local [hbm:s6], s20  }
0xa4: {  	_ =	swait.ge [sflag:s22], s20  }
0xa5: {  	s5 =	ssub.s32 $0x0, s20;
	[sflag:s22] =	ssyncset.done $0x0  }
0xa6: {  	[sflag:s22] =	ssyncadd.s32 s5;
	_ =	sdelay $0x1  }
0xa7: {  	s23 =	simm.s32 $0x1B8B  }
0xa8: {  	_ =	swait.ge [sflag:s23], $0x1  }
0xa9: {  	[sflag:s23] =	ssyncset.done $0x0  }
0xaa: {  	s25 =	simm.s32 $0x1B8E;
	s24 =	sld [smem:$0x3FFE];
	[sflag:s23] =	ssyncadd.s32 $0xFFFFFFFF  }
0xab: {  	s26 =	simm.s32 $execute0_lowered;
	[smem:$0x3FD2] =	sst s25  }
0xac: {  	s6 =	sshll.u32 s26, $0x1;
	_ =	strace $0x80000046;
	[dreg:$0x1] =	wrdreg $0xFFFFFFFF  }
0xad: {  	s28 =	simm.s32 $_size_execute0_lowered;
	s4 =	sadd.s32 s4, s6;
	[dreg:$0x0] =	wrdreg $0x0  }
0xae: {  	s6 =	sshll.u32 s28, $0x1;
	[dreg:$0x2] =	wrdreg s4  }
0xaf: {  	[dreg:$0x3] =	wrdreg s6  }
0xb0: {  	[dreg:$0x4] =	wrdreg $0xC0  }
0xb1: {  	_ =	task [dreg:s8], $0x5FFFF  }
0xb2: {  	[dreg:$0x1] =	wrdreg $0xFFFFFFFF  }
0xb3: {  	[dreg:$0x0] =	wrdreg $0x60  }
0xb4: {  	[dreg:$0x2] =	wrdreg s24  }
0xb5: {  	[dreg:$0x3] =	wrdreg s17  }
0xb6: {  	[dreg:$0x4] =	wrdreg s16  }
0xb7: {  	[dreg:$0x5] =	wrdreg $0x9  }
0xb8: {  	_ =	task.clear_ibuf [dreg:s8], $0x6FFFF;
	_ =	strace $0x90000046  }
0xb9: {  	s29 =	simm.s32 $0x9;
	_ =	strace $0x80000048  }
0xba: {  	_ =	swait.ge [sflag:s29], $0x1  }
0xbb: {  	[sflag:s29] =	ssyncadd.s32 $0xFFFFFFFF  }
0xbc: {  	_ =	strace $0x90000048  }
0xbd: {  	_ =	sfence  }
0xbe: {  	s30 =	sld [smem:$0x0];
	_ =	sdelay $0x2  }
0xbf: {  	s31 =	sshll.u32 s1, $0xD;
	s1 =	sshrl.u32 s1, $0x2  }
0xc0: {  	s3 =	sand.u32 $0x4000, s31;
	s1 =	sadd.s32 s1, s30  }
0xc1: {  	s0 =	sor.u32 s3, s0;
	s1 =	sshll.u32 s1, $0x11  }
0xc2: {  	s0 =	sor.u32 s1, s0  }
0xc3: {  	s0 =	sadd.s32 $0x8F2B, s0  }
0xc4: {  	[sflag:s0] =	ssyncadd.remote.s32 $0x1  }
0xc5: {  	_ =	sfence.sel $0xFFFF  }
0xc6: {  	[dreg:$0x0] =	wrdreg $0xFFFFFFFF;
	(pc) =	sbr.abs _section_cstart, $3  }
0xc7: {  	[dreg:$0x1] =	wrdreg $0xFFFFFFFF  }
0xc8: {  	_ =	task.clear_ibuf [dreg:s8], $0x2FFFF;
	_ =	strace $0x9FFFFFFF  }
0xc9: {  	(tm) =	ssettm $0x7FFFFFFF  }
tec
execute0_lowered:
.L_overlay_start_1:
0x0: {  	(tag) =	ssettag $0x1  }
0x1: {  	s0 =	rddreg [dreg:$0x0]  }
0x2: {  	s1 =	rddreg [dreg:$0x1];
	s2 =	srdreg.scid  }
0x3: {  	s4 =	stileid.u32;
	s15 =	rddreg [dreg:$0x2];
	s25 =	simm.s32 $0x1  }
0x4: {  	s30 =	simm.s32 $0x2200;
	s31 =	simm.s32 $0x2400;
	s18 =	simm.s32 $0x2A80  }
0x5: {  	s3 =	sand.u32 $0x1, s2;
	s4 =	sshll.u32 s4, $0x1;
	s2 =	simm.s32 $0x0  }
0x6: {  	s19 =	simm.s32 $0x0;
	s4 =	sor.u32 s3, s4;
	[smem:$0x7FF] =	sst s2  }
0x7: {  	s3 =	ssub.s32 $0x2, s3;
	s5 =	sshll.u32 s4, $0x9;
	_ =	strace $0x80000047  }
0x8: {  	s11 =	sshll.u32 s4, $0x6;
	s16 =	sshll.u32 s4, $0x4;
	s29 =	sshrl.u32 s3, $0x1  }
0x9: {  	s10 =	sadd.s32 s5, s0;
	s14 =	sadd.s32 s11, s0;
	s0 =	sadd.s32 s16, s0  }
0xa: {  	s17 =	ssub.s32 s3, s29;
	s11 =	sadd.s32 s1, s11;
	s15 =	sadd.s32 s15, s16  }
0xb: {  	s1 =	simm.s32 $0x2600;
	s3 =	sadd.s32 $0x1000, s10;
	s4 =	sadd.s32 $0x1080, s10  }
0xc: {  	v0 =	vlaneseq.u32;
	s5 =	sadd.s32 $0x1100, s10;
	s6 =	sadd.s32 $0x1180, s10;
	s7 =	sadd.s32 $0x5000, s10  }
0xd: {  	v2 =	vmul.u32 $0x10, v0;
	s8 =	sadd.s32 $0x5080, s10;
	s9 =	sadd.s32 $0x5100, s10;
	s10 =	sadd.s32 $0x5180, s10  }
0xe: {  	s12 =	sadd.s32 $0x9200, s14;
	s13 =	sadd.s32 $0x9A00, s14;
	s14 =	sadd.s32 $0xA200, s14  }
0xf: {  	v1 =	vimm.f32 $0.0e+00;
	v0 =	vimm.s32 $0x0;
	v2 =	vor.u32 $0xF, v2;
	s16 =	sadd.s32 $0x9000, s0;
	s17 =	smax.u32 s17, $0x1;
	s0 =	simm.s32 $0x2A00  }
.LBB2_1:
0x10: {  	[tilespmem:s2], [sflag:$0x1] =	stream.linear.gather [hbm4b:s3+s2], $0x400, $0x38;
	[tilespmem:$0x2B00] =	vst v63  }
0x11: {  	s20 =	simm.s32 $0x400  }
0x12: {  	[tilespmem:s20], [sflag:$0x1] =	stream.linear.gather [hbm4b:s4+s2], $0x400, $0x38;
	[tilespmem:$0x2B00] =	vst v63  }
0x13: {  	s22 =	simm.s32 $0x800  }
0x14: {  	[tilespmem:s22], [sflag:$0x1] =	stream.linear.gather [hbm4b:s5+s2], $0x400, $0x38;
	[tilespmem:$0x2B00] =	vst v63  }
0x15: {  	s23 =	simm.s32 $0xC00  }
0x16: {  	[tilespmem:s23], [sflag:$0x1] =	stream.linear.gather [hbm4b:s6+s2], $0x400, $0x38;
	[tilespmem:$0x2B00] =	vst v63  }
0x17: {  	s24 =	simm.s32 $0x1000  }
0x18: {  	[tilespmem:s24], [sflag:$0x1] =	stream.linear.gather [hbm4b:s7+s2], $0x400, $0x38;
	[tilespmem:$0x2B00] =	vst v63  }
0x19: {  	s26 =	simm.s32 $0x1400  }
0x1a: {  	[tilespmem:s26], [sflag:$0x1] =	stream.linear.gather [hbm4b:s8+s2], $0x400, $0x38;
	[tilespmem:$0x2B00] =	vst v63  }
0x1b: {  	s28 =	simm.s32 $0x1800  }
0x1c: {  	[tilespmem:s28], [sflag:$0x1] =	stream.linear.gather [hbm4b:s9+s2], $0x400, $0x38;
	[tilespmem:$0x2B00] =	vst v63  }
0x1d: {  	s29 =	simm.s32 $0x1C00  }
0x1e: {  	[tilespmem:s29], [sflag:$0x1] =	stream.linear.gather [hbm4b:s10+s2], $0x400, $0x38;
	[tilespmem:$0x2B00] =	vst v63  }
0x1f: {  	_ =	swait.ge [sflag:s25], $0x400  }
0x20: {  	[sflag:s25] =	ssyncset.done $0x0  }
0x21: {  	[sflag:s25] =	ssyncadd.s32 $0xFFFFFC00  }
0x22: {  	_ =	swait.ge [sflag:s25], $0x400  }
0x23: {  	[sflag:s25] =	ssyncset.done $0x0  }
0x24: {  	[sflag:s25] =	ssyncadd.s32 $0xFFFFFC00  }
0x25: {  	_ =	swait.ge [sflag:s25], $0x400  }
0x26: {  	[sflag:s25] =	ssyncset.done $0x0  }
0x27: {  	[sflag:s25] =	ssyncadd.s32 $0xFFFFFC00  }
0x28: {  	_ =	swait.ge [sflag:s25], $0x400  }
0x29: {  	[sflag:s25] =	ssyncset.done $0x0  }
0x2a: {  	[sflag:s25] =	ssyncadd.s32 $0xFFFFFC00  }
0x2b: {  	_ =	swait.ge [sflag:s25], $0x400  }
0x2c: {  	v3 =	vimm.f32 $0.0e+00;
	v4 =	vimm.f32 $0.0e+00;
	[sflag:s25] =	ssyncset.done $0x0  }
0x2d: {  	v5 =	vimm.f32 $0.0e+00;
	v6 =	vimm.f32 $0.0e+00;
	v8 =	vimm.f32 $0.0e+00;
	[sflag:s25] =	ssyncadd.s32 $0xFFFFFC00  }
0x2e: {  	v10 =	vimm.f32 $0.0e+00;
	v12 =	vimm.f32 $0.0e+00;
	v14 =	vimm.f32 $0.0e+00;
	_ =	swait.ge [sflag:s25], $0x400  }
0x2f: {  	v16 =	vimm.f32 $0.0e+00;
	v18 =	vimm.f32 $0.0e+00;
	v20 =	vimm.f32 $0.0e+00;
	[sflag:s25] =	ssyncset.done $0x0  }
0x30: {  	v22 =	vimm.f32 $0.0e+00;
	v23 =	vimm.f32 $0.0e+00;
	v25 =	vimm.f32 $0.0e+00;
	[sflag:s25] =	ssyncadd.s32 $0xFFFFFC00  }
0x31: {  	v26 =	vimm.f32 $0.0e+00;
	v28 =	vimm.f32 $0.0e+00;
	v7 =	vimm.f32 $0.0e+00;
	_ =	swait.ge [sflag:s25], $0x400  }
0x32: {  	v9 =	vimm.f32 $0.0e+00;
	v11 =	vimm.f32 $0.0e+00;
	v13 =	vimm.f32 $0.0e+00;
	[sflag:s25] =	ssyncset.done $0x0  }
0x33: {  	v15 =	vimm.f32 $0.0e+00;
	v17 =	vimm.f32 $0.0e+00;
	v19 =	vimm.f32 $0.0e+00;
	[sflag:s25] =	ssyncadd.s32 $0xFFFFFC00  }
0x34: {  	v21 =	vimm.f32 $0.0e+00;
	v24 =	vimm.f32 $0.0e+00;
	v27 =	vimm.f32 $0.0e+00;
	s21 =	simm.s32 $0x2200;
	s20 =	simm.s32 $0x2000;
	_ =	swait.ge [sflag:s25], $0x400  }
0x35: {  	v29 =	vimm.f32 $0.0e+00;
	v30 =	vimm.f32 $0.0e+00;
	v31 =	vimm.f32 $0.0e+00;
	s22 =	simm.s32 $0x2400;
	s23 =	simm.s32 $0x2600;
	[sflag:s25] =	ssyncset.done $0x0  }
0x36: {  	v32 =	vimm.f32 $0.0e+00;
	v33 =	vimm.f32 $0.0e+00;
	v34 =	vimm.f32 $0.0e+00;
	s24 =	simm.s32 $0x0;
	s26 =	simm.s32 $0x0;
	[sflag:s25] =	ssyncadd.s32 $0xFFFFFC00  }
.LBB2_2:
0x37: {  	s28 =	sand.u32 $0xC00, s24;
	s29 =	sand.u32 $0x70, s26  }
0x38: {  	s28 =	sor.u32 s29, s28  }
0x39: {  	v35 =	vld [tilespmem:s28+$0x0]  }
0x3a: {  	v36 =	vld [tilespmem:s28+$0x80]  }
0x3b: {  	v37 =	vld [tilespmem:s28+$0x100]  }
0x3c: {  	v38 =	vld [tilespmem:s28+$0x180]  }
0x3d: {  	v39 =	vld [tilespmem:s28+$0x200]  }
0x3e: {  	v40 =	vld [tilespmem:s28+$0x280]  }
0x3f: {  	v41 =	vld [tilespmem:s28+$0x300];
	v42 =	vmax.f32 v35, v36  }
0x40: {  	v43 =	vld [tilespmem:s28+$0x380];
	v42 =	vmax.f32 v42, v37  }
0x41: {  	v44 =	vld [tilespmem:s28+$0x1000];
	v42 =	vmax.f32 v42, v38  }
0x42: {  	v45 =	vld [tilespmem:s28+$0x1080];
	v42 =	vmax.f32 v42, v39  }
0x43: {  	v46 =	vld [tilespmem:s28+$0x1100];
	v42 =	vmax.f32 v42, v40  }
0x44: {  	v47 =	vld [tilespmem:s28+$0x1180];
	v42 =	vmax.f32 v42, v41  }
0x45: {  	v48 =	vld [tilespmem:s28+$0x1200];
	v42 =	vmax.f32 v42, v43  }
0x46: {  	v49 =	vld [tilespmem:s28+$0x1280];
	v42 =	vmax.f32 v42, v44  }
0x47: {  	v50 =	vld [tilespmem:s28+$0x1300];
	v42 =	vmax.f32 v42, v45  }
0x48: {  	v51 =	vld [tilespmem:s28+$0x1380];
	v42 =	vmax.f32 v42, v46  }
0x49: {  	v42 =	vmax.f32 v42, v47  }
0x4a: {  	v42 =	vmax.f32 v42, v48  }
0x4b: {  	v42 =	vmax.f32 v42, v49  }
0x4c: {  	v42 =	vmax.f32 v42, v50  }
0x4d: {  	v42 =	vmax.f32 v42, v51  }
0x4e: {  	v35 =	vsub.f32 v35, v42;
	v36 =	vsub.f32 v36, v42  }
0x4f: {  	v37 =	vsub.f32 v37, v42;
	v55 =	vsub.f32 v38, v42  }
0x50: {  	v56 =	vsub.f32 v39, v42;
	v35 =	vmul.f32 $1.442695020e+00, v35;
	v36 =	vmul.f32 $1.442695020e+00, v36  }
0x51: {  	v58 =	vsub.f32 v40, v42;
	v54 =	vmul.f32 $1.442695020e+00, v37;
	v57 =	vmul.f32 $1.442695020e+00, v55  }
0x52: {  	v59 =	vsub.f32 v41, v42;
	v37 =	vmul.f32 $1.442695020e+00, v56;
	(erf) = vpow2.f32 v35  }
0x53: {  	v61 =	vsub.f32 v43, v42;
	v60 =	vmul.f32 $1.442695020e+00, v58;
	(erf) = vpow2.f32 v36  }
0x54: {  	v63 =	vsub.f32 v44, v42;
	v62 =	vmul.f32 $1.442695020e+00, v59;
	(erf) = vpow2.f32 v54  }
0x55: {  	v44 =	vsub.f32 v45, v42;
	v43 =	vmul.f32 $1.442695020e+00, v61;
	(erf) = vpow2.f32 v57  }
0x56: {  	v46 =	vsub.f32 v46, v42;
	v45 =	vmul.f32 $1.442695020e+00, v63;
	(erf) = vpow2.f32 v37  }
0x57: {  	v52 =	vsub.f32 v47, v42;
	v39 =	vmul.f32 $1.442695020e+00, v44;
	(erf) = vpow2.f32 v60  }
0x58: {  	v38 =	vmul.f32 $1.442695020e+00, v46;
	v55 =	vsub.f32 v48, v42;
	(erf) = vpow2.f32 v62  }
0x59: {  	v53 =	vmul.f32 $1.442695020e+00, v52;
	v56 =	vsub.f32 v49, v42;
	(erf) = vpow2.f32 v43  }
0x5a: {  	v48 =	vsub.f32 v50, v42;
	v58 =	vmul.f32 $1.442695020e+00, v55;
	(erf) = vpow2.f32 v45  }
0x5b: {  	v59 =	vmul.f32 $1.442695020e+00, v56;
	v36 =	vpop (erf);
	(erf) = vpow2.f32 v39  }
0x5c: {  	v52 =	vsub.f32 v51, v42;
	v44 =	vmul.f32 $1.442695020e+00, v48;
	v35 =	vpop (erf);
	(erf) = vpow2.f32 v38  }
0x5d: {  	v54 =	vadd.f32 v35, v36;
	v37 =	vpop (erf);
	(erf) = vpow2.f32 v53;
	vm0 =	vgt.f32 v35, v36  }
0x5e: {  	vm3 =	vgt.f32 v35, $-1.000000000e+00;
	v53 =	vmul.f32 $1.442695020e+00, v52;
	(erf) = vpow2.f32 v58  }
0x5f: {  	vm4 =	vmneg vm0;
	v61 =	vnsel vm3, $0xBF800000, v35;
	v58 =	vsel vm0, $0x1, v0  }
0x60: {  	v57 =	vadd.f32 v54, v37;
	(erf) = vpow2.f32 v59;
	v63 =	vsel vm4, v61, v36  }
0x61: {  	v38 =	vpop (erf);
	v49 =	vsel vm4, v36, v35;
	vm3 =	vmand vm4, vm3;
	vm5 =	vgt.f32 v37, v63  }
0x62: {  	vm1 =	vgt.f32 v37, v49;
	v60 =	vadd.f32 v57, v38;
	v43 =	vsel vm5, v37, v63  }
0x63: {  	v39 =	vpop (erf);
	(erf) = vpow2.f32 v44;
	v55 =	vsel vm3, $0x1, v0;
	v43 =	vsel vm1, v49, v43  }
0x64: {  	v45 =	vsel vm1, v37, v49;
	v62 =	vadd.f32 v60, v39;
	vm6 =	vgt.f32 v38, v43  }
0x65: {  	v40 =	vpop (erf);
	(erf) = vpow2.f32 v53;
	vm2 =	vgt.f32 v38, v45;
	v43 =	vsel vm6, v38, v43  }
0x66: {  	v48 =	vsel vm5, $0x2, v55;
	v50 =	vadd.f32 v62, v40;
	v54 =	vsel vm2, v45, v43  }
0x67: {  	v41 =	vpop (erf);
	v48 =	vsel vm1, v58, v48;
	v45 =	vsel vm2, v38, v45;
	vm13 =	vgt.f32 v39, v54  }
0x68: {  	vm14 =	vgt.f32 v39, v45;
	v46 =	vadd.f32 v50, v41;
	v47 =	vsel vm13, v39, v54  }
0x69: {  	v42 =	vpop (erf);
	v48 =	vsel vm6, $0x3, v48;
	v57 =	vsel vm14, v45, v47;
	v45 =	vsel vm14, v39, v45  }
0x6a: {  	v47 =	vsel vm1, $0x2, v58;
	v46 =	vadd.f32 v46, v42;
	vm7 =	vgt.f32 v40, v57  }
0x6b: {  	v43 =	vpop (erf);
	vm9 =	vgt.f32 v40, v45;
	v48 =	vsel vm2, v47, v48;
	v47 =	vsel vm2, $0x3, v47  }
0x6c: {  	v48 =	vsel vm13, $0x4, v48;
	v56 =	vadd.f32 v46, v43;
	v46 =	vsel vm7, v40, v57  }
0x6d: {  	v49 =	vpop (erf);
	v48 =	vsel vm14, v47, v48;
	v47 =	vsel vm14, $0x4, v47;
	v46 =	vsel vm9, v45, v46  }
0x6e: {  	v45 =	vsel vm9, v40, v45;
	v48 =	vsel vm7, $0x5, v48;
	v44 =	vadd.f32 v56, v49  }
0x6f: {  	v50 =	vpop (erf);
	vm10 =	vgt.f32 v41, v46;
	vm11 =	vgt.f32 v41, v45;
	v48 =	vsel vm9, v47, v48  }
0x70: {  	v47 =	vsel vm9, $0x5, v47;
	v46 =	vsel vm10, v41, v46;
	v44 =	vadd.f32 v44, v50  }
0x71: {  	v51 =	vpop (erf);
	v48 =	vsel vm10, $0x6, v48;
	v46 =	vsel vm11, v45, v46;
	v45 =	vsel vm11, v41, v45  }
0x72: {  	v48 =	vsel vm11, v47, v48;
	vm15 =	vgt.f32 v42, v46;
	v44 =	vadd.f32 v44, v51  }
0x73: {  	v52 =	vpop (erf);
	v47 =	vsel vm11, $0x6, v47;
	vm12 =	vgt.f32 v42, v45;
	v46 =	vsel vm15, v42, v46  }
0x74: {  	v48 =	vsel vm15, $0x7, v48;
	v46 =	vsel vm12, v45, v46;
	v44 =	vadd.f32 v44, v52  }
0x75: {  	v53 =	vpop (erf);
	v45 =	vsel vm12, v42, v45;
	v48 =	vsel vm12, v47, v48;
	vm13 =	vgt.f32 v43, v46  }
0x76: {  	vm14 =	vgt.f32 v43, v45;
	v46 =	vsel vm13, v43, v46;
	v44 =	vadd.f32 v44, v53  }
0x77: {  	v54 =	vpop (erf);
	v47 =	vsel vm12, $0x7, v47;
	v48 =	vsel vm13, $0x8, v48;
	v46 =	vsel vm14, v45, v46  }
0x78: {  	v45 =	vsel vm14, v43, v45;
	vm9 =	vgt.f32 v49, v46;
	v44 =	vadd.f32 v44, v54  }
0x79: {  	v55 =	vpop (erf);
	v48 =	vsel vm14, v47, v48;
	vm10 =	vgt.f32 v49, v45;
	v46 =	vsel vm9, v49, v46  }
0x7a: {  	v47 =	vsel vm14, $0x8, v47;
	v46 =	vsel vm10, v45, v46;
	v44 =	vadd.f32 v44, v55  }
0x7b: {  	v48 =	vsel vm9, $0x9, v48;
	v45 =	vsel vm10, v49, v45;
	vm11 =	vgt.f32 v50, v46  }
0x7c: {  	vm5 =	vgt.f32 v50, v45;
	v46 =	vsel vm11, v50, v46;
	(erf) = vrcp.f32 v44  }
0x7d: {  	v59 =	vsel vm10, v47, v48;
	v47 =	vsel vm10, $0x9, v47;
	v46 =	vsel vm5, v45, v46  }
0x7e: {  	v45 =	vsel vm5, v50, v45;
	v44 =	vsel vm11, $0xA, v59;
	vm15 =	vgt.f32 v51, v46  }
0x7f: {  	vm4 =	vgt.f32 v51, v45;
	v44 =	vsel vm5, v47, v44;
	v46 =	vsel vm15, v51, v46  }
0x80: {  	v47 =	vsel vm5, $0xA, v47;
	v44 =	vsel vm15, $0xB, v44;
	v46 =	vsel vm4, v45, v46  }
0x81: {  	v45 =	vsel vm4, v51, v45;
	v44 =	vsel vm4, v47, v44;
	vm12 =	vgt.f32 v52, v46  }
0x82: {  	v47 =	vsel vm4, $0xB, v47;
	vm13 =	vgt.f32 v52, v45;
	v46 =	vsel vm12, v52, v46  }
0x83: {  	v44 =	vsel vm12, $0xC, v44;
	v46 =	vsel vm13, v45, v46;
	v45 =	vsel vm13, v52, v45  }
0x84: {  	v44 =	vsel vm13, v47, v44;
	v47 =	vsel vm13, $0xC, v47;
	vm14 =	vgt.f32 v53, v46  }
0x85: {  	vm8 =	vgt.f32 v53, v45;
	v46 =	vsel vm14, v53, v46;
	v44 =	vsel vm14, $0xD, v44;
	v60 =	vpop (erf)  }
0x86: {  	v46 =	vsel vm8, v45, v46;
	v36 =	vmul.f32 v60, v36;
	v35 =	vmul.f32 v60, v35  }
0x87: {  	v45 =	vsel vm8, v53, v45;
	v61 =	vmul.f32 v60, v37;
	v62 =	vmul.f32 v60, v38  }
0x88: {  	v44 =	vsel vm8, v47, v44;
	v63 =	vmul.f32 v60, v39;
	v40 =	vmul.f32 v60, v40  }
0x89: {  	v47 =	vsel vm8, $0xD, v47;
	v41 =	vmul.f32 v60, v41;
	v42 =	vmul.f32 v60, v42  }
0x8a: {  	vm15 =	vgt.f32 v54, v46;
	v43 =	vmul.f32 v60, v43;
	v49 =	vmul.f32 v60, v49  }
0x8b: {  	vm9 =	vgt.f32 v54, v45;
	v50 =	vmul.f32 v60, v50;
	v57 =	vmul.f32 v60, v52  }
0x8c: {  	v58 =	vmul.f32 v60, v53;
	v34 =	vadd.f32 v36, v34;
	v33 =	vadd.f32 v35, v33  }
0x8d: {  	v59 =	vmul.f32 v60, v54;
	v32 =	vadd.f32 v61, v32;
	v31 =	vadd.f32 v62, v31  }
0x8e: {  	v46 =	vsel vm15, v54, v46;
	v30 =	vadd.f32 v63, v30;
	v29 =	vadd.f32 v40, v29  }
0x8f: {  	v44 =	vsel vm15, $0xE, v44;
	v27 =	vadd.f32 v41, v27;
	v24 =	vadd.f32 v42, v24  }
0x90: {  	v46 =	vsel vm9, v45, v46;
	v21 =	vadd.f32 v43, v21;
	v19 =	vadd.f32 v49, v19  }
0x91: {  	v45 =	vsel vm9, v54, v45;
	v17 =	vadd.f32 v50, v17;
	v13 =	vadd.f32 v57, v13  }
0x92: {  	v11 =	vadd.f32 v58, v11;
	v61 =	vsel vm9, $0xE, v47;
	v9 =	vadd.f32 v59, v9  }
0x93: {  	v62 =	vsel vm9, v47, v44;
	vm10 =	vgt.f32 v55, v46;
	vm11 =	vgt.f32 v55, v45  }
0x94: {  	v46 =	vsel vm10, v55, v46;
	v63 =	vsel vm11, $0xF, v61;
	v43 =	vsel vm10, $0xF, v62  }
0x95: {  	v46 =	vsel vm11, v45, v46;
	v45 =	vsel vm11, v55, v45;
	vm12 =	veq.s32 v63, $0x0  }
0x96: {  	v35 =	vsel vm11, v61, v43;
	vm13 =	veq.s32 v63, $0x1;
	vm14 =	veq.s32 v63, $0x2  }
0x97: {  	vm15 =	veq.s32 v63, $0x3;
	vm4 =	veq.s32 v63, $0x4;
	vm5 =	veq.s32 v63, $0x5  }
0x98: {  	vm6 =	veq.s32 v63, $0x6;
	vm7 =	veq.s32 v63, $0x7;
	vm8 =	veq.s32 v63, $0x8  }
0x99: {  	vm9 =	veq.s32 v63, $0x9;
	vm10 =	veq.s32 v63, $0xA;
	v56 =	vadd.f32 v46, v45  }
0x9a: {  	vm11 =	veq.s32 v63, $0xB;
	v48 =	vsel vm12, $0x3F800000, v1;
	v49 =	vsel vm13, $0x3F800000, v1  }
0x9b: {  	v50 =	vsel vm14, $0x3F800000, v1;
	v52 =	vsel vm4, $0x3F800000, v1;
	(erf) = vrcp.f32 v56  }
0x9c: {  	v53 =	vsel vm5, $0x3F800000, v1;
	v54 =	vsel vm6, $0x3F800000, v1;
	v57 =	vsel vm9, $0x3F800000, v1  }
0x9d: {  	v58 =	vsel vm10, $0x3F800000, v1;
	vm12 =	veq.s32 v63, $0xC;
	v28 =	vadd.f32 v48, v28  }
0x9e: {  	v59 =	vsel vm11, $0x3F800000, v1;
	v26 =	vadd.f32 v49, v26;
	v25 =	vadd.f32 v50, v25  }
0x9f: {  	vm13 =	veq.s32 v63, $0xD;
	v22 =	vadd.f32 v52, v22;
	v20 =	vadd.f32 v53, v20  }
0xa0: {  	vm14 =	veq.s32 v63, $0xE;
	v18 =	vadd.f32 v54, v18;
	v12 =	vadd.f32 v57, v12  }
0xa1: {  	v10 =	vadd.f32 v58, v10;
	v8 =	vadd.f32 v59, v8;
	v61 =	vsel vm13, $0x3F800000, v1  }
0xa2: {  	v62 =	vsel vm14, $0x3F800000, v1;
	v56 =	vmul.f32 v60, v51;
	v60 =	vmul.f32 v60, v55  }
0xa3: {  	p0 =	sne.s32 s26, $0x1F0;
	v51 =	vsel vm15, $0x3F800000, v1;
	v55 =	vsel vm7, $0x3F800000, v1;
	v5 =	vadd.f32 v61, v5  }
.Ltmp0:
0xa4: {  	vm15 =	veq.s32 v63, $0xF;
	v4 =	vadd.f32 v62, v4;
	v23 =	vadd.f32 v51, v23;
	v44 =	vpop (erf);
	(pc) =	sbr.rel @p0 .LBB2_2-.Ltmp0, $4  }
0xa5: {  	[tilespmem:s20+$0x0] =	vst v63;
	v16 =	vadd.f32 v55, v16;
	v63 =	vsel vm15, $0x3F800000, v1;
	v47 =	vmul.f32 v44, v45  }
0xa6: {  	[tilespmem:s21+$0x0] =	vst v35;
	v15 =	vadd.f32 v56, v15;
	v7 =	vadd.f32 v60, v7;
	v36 =	vmul.f32 v44, v46  }
0xa7: {  	s24 =	sadd.s32 $0x80, s24;
	s26 =	sadd.s32 $0x10, s26;
	s20 =	sadd.s32 $0x10, s20;
	v56 =	vsel vm8, $0x3F800000, v1;
	v60 =	vsel vm12, $0x3F800000, v1;
	v3 =	vadd.f32 v63, v3;
	[tilespmem:s22+$0x0] =	vst v47  }
0xa8: {  	s21 =	sadd.s32 $0x10, s21;
	v14 =	vadd.f32 v56, v14;
	v6 =	vadd.f32 v60, v6;
	s22 =	sadd.s32 $0x10, s22;
	[tilespmem:s23+$0x0] =	vst v36;
	s23 =	sadd.s32 $0x10, s23  }
0xa9: {  	(xrf2) =	vadd.scan.msk.f32 $0xffff, v34  }
0xaa: {  	(xrf2) =	vadd.scan.msk.f32 $0xffff, v28  }
0xab: {  	(xrf2) =	vadd.scan.msk.f32 $0xffff, v33  }
0xac: {  	(xrf2) =	vadd.scan.msk.f32 $0xffff, v26  }
0xad: {  	(xrf2) =	vadd.scan.msk.f32 $0xffff, v32  }
0xae: {  	(xrf2) =	vadd.scan.msk.f32 $0xffff, v25  }
0xaf: {  	(xrf2) =	vadd.scan.msk.f32 $0xffff, v31  }
0xb0: {  	(xrf2) =	vadd.scan.msk.f32 $0xffff, v23  }
0xb1: {  	(xrf2) =	vadd.scan.msk.f32 $0xffff, v30  }
0xb2: {  	(xrf2) =	vadd.scan.msk.f32 $0xffff, v22  }
0xb3: {  	v38, _, _ =	vpop (xrf2);
	(xrf2) =	vadd.scan.msk.f32 $0xffff, v29  }
0xb4: {  	[tilespmem:$0x2800] =	vst v38;
	v39, _, _ =	vpop (xrf2);
	(xrf2) =	vadd.scan.msk.f32 $0xffff, v20  }
0xb5: {  	[tilespmem:$0x2900] =	vst v39;
	v40, _, _ =	vpop (xrf2);
	(xrf2) =	vadd.scan.msk.f32 $0xffff, v27  }
0xb6: {  	[tilespmem:$0x2810] =	vst v40;
	v41, _, _ =	vpop (xrf2);
	(xrf2) =	vadd.scan.msk.f32 $0xffff, v18  }
0xb7: {  	[tilespmem:$0x2910] =	vst v41;
	v42, _, _ =	vpop (xrf2);
	(xrf2) =	vadd.scan.msk.f32 $0xffff, v24  }
0xb8: {  	[tilespmem:$0x2820] =	vst v42;
	v43, _, _ =	vpop (xrf2);
	(xrf2) =	vadd.scan.msk.f32 $0xffff, v16  }
0xb9: {  	[tilespmem:$0x2920] =	vst v43;
	v44, _, _ =	vpop (xrf2);
	(xrf2) =	vadd.scan.msk.f32 $0xffff, v21  }
0xba: {  	[tilespmem:$0x2830] =	vst v44;
	v45, _, _ =	vpop (xrf2);
	(xrf2) =	vadd.scan.msk.f32 $0xffff, v14  }
0xbb: {  	[tilespmem:$0x2930] =	vst v45;
	v46, _, _ =	vpop (xrf2);
	(xrf2) =	vadd.scan.msk.f32 $0xffff, v19  }
0xbc: {  	[tilespmem:$0x2840] =	vst v46;
	v47, _, _ =	vpop (xrf2);
	(xrf2) =	vadd.scan.msk.f32 $0xffff, v12  }
0xbd: {  	[tilespmem:$0x2940] =	vst v47;
	v48, _, _ =	vpop (xrf2);
	(xrf2) =	vadd.scan.msk.f32 $0xffff, v17  }
0xbe: {  	[tilespmem:$0x2850] =	vst v48;
	v49, _, _ =	vpop (xrf2);
	(xrf2) =	vadd.scan.msk.f32 $0xffff, v10  }
0xbf: {  	[tilespmem:$0x2950] =	vst v49;
	v50, _, _ =	vpop (xrf2);
	(xrf2) =	vadd.scan.msk.f32 $0xffff, v15  }
0xc0: {  	[tilespmem:$0x2860] =	vst v50;
	v51, _, _ =	vpop (xrf2);
	(xrf2) =	vadd.scan.msk.f32 $0xffff, v8  }
0xc1: {  	[tilespmem:$0x2960] =	vst v51;
	v52, _, _ =	vpop (xrf2);
	(xrf2) =	vadd.scan.msk.f32 $0xffff, v13  }
0xc2: {  	[tilespmem:$0x2870] =	vst v52;
	v53, _, _ =	vpop (xrf2);
	(xrf2) =	vadd.scan.msk.f32 $0xffff, v6  }
0xc3: {  	[tilespmem:$0x2970] =	vst v53;
	v54, _, _ =	vpop (xrf2);
	(xrf2) =	vadd.scan.msk.f32 $0xffff, v11  }
0xc4: {  	[tilespmem:$0x2880] =	vst v54;
	v55, _, _ =	vpop (xrf2);
	(xrf2) =	vadd.scan.msk.f32 $0xffff, v5  }
0xc5: {  	[tilespmem:$0x2980] =	vst v55;
	v56, _, _ =	vpop (xrf2);
	(xrf2) =	vadd.scan.msk.f32 $0xffff, v9  }
0xc6: {  	[tilespmem:$0x2890] =	vst v56;
	v57, _, _ =	vpop (xrf2);
	(xrf2) =	vadd.scan.msk.f32 $0xffff, v4  }
0xc7: {  	[tilespmem:$0x2990] =	vst v57;
	v58, _, _ =	vpop (xrf2);
	(xrf2) =	vadd.scan.msk.f32 $0xffff, v7  }
0xc8: {  	[tilespmem:$0x28A0] =	vst v58;
	v59, _, _ =	vpop (xrf2);
	(xrf2) =	vadd.scan.msk.f32 $0xffff, v3  }
0xc9: {  	v3, _, _ =	vpop (xrf2);
	[tilespmem:$0x29A0] =	vst v59  }
0xca: {  	v60, _, _ =	vpop (xrf2);
	[tilespmem:$0x28B0] =	vst v3  }
0xcb: {  	v3, _, _ =	vpop (xrf2);
	[tilespmem:$0x29B0] =	vst v60  }
0xcc: {  	v61, _, _ =	vpop (xrf2);
	[tilespmem:$0x28C0] =	vst v3  }
0xcd: {  	v3, _, _ =	vpop (xrf2);
	[tilespmem:$0x29C0] =	vst v61  }
0xce: {  	v62, _, _ =	vpop (xrf2);
	[tilespmem:$0x28D0] =	vst v3  }
0xcf: {  	v3, _, _ =	vpop (xrf2);
	[tilespmem:$0x29D0] =	vst v62  }
0xd0: {  	v63, _, _ =	vpop (xrf2);
	[tilespmem:$0x28E0] =	vst v3  }
0xd1: {  	v3, _, _ =	vpop (xrf2);
	[tilespmem:$0x29E0] =	vst v63  }
0xd2: {  	[tilespmem:$0x28F0] =	vst v3;
	v3, _, _ =	vpop (xrf2)  }
0xd3: {  	s20 =	simm.s32 $0x2800;
	[tilespmem:$0x29F0] =	vst v3  }
0xd4: {  	v3 =	vld.idx.msk [tilespmem:v2+s20+$0x0], $0xffff;
	_ =	sdelay $0x4  }
0xd5: {  	s28 =	simm.s32 $0x2900;
	[tilespmem:$0x2A00] =	vst v3  }
0xd6: {  	v3 =	vld.idx.msk [tilespmem:v2+s28+$0x0], $0xffff;
	_ =	sdelay $0x4  }
0xd7: {  	s29 =	simm.s32 $0x2000;
	[tilespmem:$0x2A80] =	vst v3  }
0xd8: {  	[hbm4b:s11+s2] =	stream.linear.scatter [tilespmem:s29], [sflag:$0x1], $0x200, $0x38;
	[tilespmem:$0x2B00] =	vst v63  }
0xd9: {  	_ = 	snop  }
0xda: {  	[hbm4b:s12+s2] =	stream.linear.scatter [tilespmem:s30], [sflag:$0x1], $0x200, $0x38;
	[tilespmem:$0x2B00] =	vst v63  }
0xdb: {  	_ = 	snop  }
0xdc: {  	[hbm4b:s13+s2] =	stream.linear.scatter [tilespmem:s31], [sflag:$0x1], $0x200, $0x38;
	[tilespmem:$0x2B00] =	vst v63  }
0xdd: {  	_ = 	snop  }
0xde: {  	[hbm4b:s14+s2] =	stream.linear.scatter [tilespmem:s1], [sflag:$0x1], $0x200, $0x38;
	[tilespmem:$0x2B00] =	vst v63  }
0xdf: {  	_ = 	snop  }
0xe0: {  	[hbm4b:s15+s2] =	stream.linear.scatter [tilespmem:s0], [sflag:$0x1], $0x80, $0x38;
	[tilespmem:$0x2B00] =	vst v63  }
0xe1: {  	_ = 	snop  }
0xe2: {  	[hbm4b:s16+s2] =	stream.linear.scatter [tilespmem:s18], [sflag:$0x1], $0x80, $0x38;
	[tilespmem:$0x2B00] =	vst v63  }
0xe3: {  	_ =	swait.ge [sflag:s25], $0x200  }
0xe4: {  	[sflag:s25] =	ssyncset.done $0x0  }
0xe5: {  	[sflag:s25] =	ssyncadd.s32 $0xFFFFFE00  }
0xe6: {  	_ =	swait.ge [sflag:s25], $0x200  }
0xe7: {  	[sflag:s25] =	ssyncset.done $0x0  }
0xe8: {  	[sflag:s25] =	ssyncadd.s32 $0xFFFFFE00  }
0xe9: {  	_ =	swait.ge [sflag:s25], $0x200  }
0xea: {  	[sflag:s25] =	ssyncset.done $0x0  }
0xeb: {  	[sflag:s25] =	ssyncadd.s32 $0xFFFFFE00  }
0xec: {  	_ =	swait.ge [sflag:s25], $0x200  }
0xed: {  	[sflag:s25] =	ssyncset.done $0x0  }
0xee: {  	s19 =	sadd.s32 $0x1, s19;
	[sflag:s25] =	ssyncadd.s32 $0xFFFFFE00  }
0xef: {  	p0 =	sne.s32 s19, s17;
	_ =	swait.ge [sflag:s25], $0x80  }
.Ltmp1:
0xf0: {  	[sflag:s25] =	ssyncset.done $0x0;
	(pc) =	sbr.rel @p0 .LBB2_1-.Ltmp1, $4  }
0xf1: {  	[sflag:s25] =	ssyncadd.s32 $0xFFFFFF80  }
0xf2: {  	_ =	swait.ge [sflag:s25], $0x80  }
0xf3: {  	[sflag:s25] =	ssyncset.done $0x0  }
0xf4: {  	[sflag:s25] =	ssyncadd.s32 $0xFFFFFF80  }
0xf5: {  	_ =	sfence.sel $0x180000  }
0xf6: {  	[bflag:$0x0] =	sbarrier.arrive $0xFFFF  }
0xf7: {  	_ =	strace $0x90000047  }
0xf8: {  	s0 =	stileid.u32;
	[bflag:$0x2] =	sbarrier.arrive $0xFFFF  }
0xf9: {  	p0 =	sne.s32 s0, $0x0;
	s0 =	rddreg [dreg:$0x3]  }
0xfa: {  	s0 =	sadd.s32 @!p0 $0x100000, s0  }
0xfb: {  	[sflag:s0] =	ssyncadd.tile.s32 @!p0 $0x1;
	_ =	shalt  }
.Lfunc_end2:
_tile_overlayer_lowered:
.L_overlay_start_2:
0xfc: {  	(tag) =	ssettag $0x2  }
0xfd: {  	s0 =	rddreg [dreg:$0x0];
	s2 =	stileid.u32  }
0xfe: {  	s1 =	rddreg [dreg:$0x1];
	p0 =	sne.s32 s2, $0x0  }
0xff: {  	s3 =	rddreg [dreg:$0x2];
	[bflag:$0x3] =	sbarrier.arrive $0xFFFF;
	s2 =	simm.s32 @!p0 $0x1C02  }
0x100: {  	[timem:s3], [sflag:s2] =	dma.local @!p0 [hbm:s0], s1  }
0x101: {  	s0 =	simm.s32 @!p0 $0x2  }
0x102: {  	_ =	swait.ge @!p0 [sflag:s0], s1  }
0x103: {  	s1 =	ssub.s32 @!p0 $0x0, s1;
	[sflag:s0] =	ssyncset.done @!p0 $0x0  }
0x104: {  	[sflag:s0] =	ssyncadd.s32 @!p0 s1  }
0x105: {  	[bflag:$0x3] =	sbarrier.arrive $0xFFFF  }
0x106: {  	_ =	shalt  }

</sc_bundles>
